<compile_context>
chip_gen: v7x
topology: tpu7x:2x2x1
jax: 0.10.2.dev20260603
libtpu: 0.0.44.dev20260713+nightly
codegen_flags: <defaults>
</compile_context>

<pallas_src>
import functools

import jax
import jax.numpy as jnp
from jax import lax
from jax.experimental import pallas as pl
from jax.experimental.pallas import tpu as pltpu
from jax.experimental.pallas import tpu_sc as plsc

K = 8192
D = 256
B, HW = 32, 576
M = B * HW

BM = 2048
BK = 2048
G = M // BM
NK = K // BK

NC, NS = 2, 16
NW = NC * NS
ROWS_PER_W = M // NW
GCH = 96
NCH = ROWS_PER_W // GCH


def _argmin_body(x_ref, w_ref, idx_ref, sqr_ref):
    @pl.when(pl.program_id(0) == 0)
    def _():
        for kt in range(NK):
            w = w_ref[pl.ds(kt * BK, BK), :]
            sqr_ref[pl.ds(kt * BK, BK), :] = jnp.sum(w * w, axis=1, keepdims=True)

    x = x_ref[...] * -2.0
    best = None
    besti = None
    for kt in range(NK):
        w = w_ref[pl.ds(kt * BK, BK), :]
        cov = lax.dot_general(
            w, x,
            dimension_numbers=(((1,), (1,)), ((), ())),
            preferred_element_type=jnp.float32,
            precision=lax.Precision.DEFAULT,
        )
        scores = cov + sqr_ref[pl.ds(kt * BK, BK), :]
        loc_min = jnp.min(scores, axis=0, keepdims=True)
        loc_arg = (jnp.argmin(scores, axis=0).astype(jnp.float32).reshape(1, BM)
                   + float(kt * BK))
        if kt == 0:
            best, besti = loc_min, loc_arg
        else:
            upd = loc_min < best
            besti = jnp.where(upd, loc_arg, besti)
            best = jnp.where(upd, loc_min, best)
    idx_ref[...] = besti.astype(jnp.int32).reshape(1, 1, BM)


def _tc_argmin(x2, weight, g):
    return pl.pallas_call(
        _argmin_body,
        grid=(g,),
        in_specs=[
            pl.BlockSpec((BM, D), lambda m: (m, 0)),
            pl.BlockSpec((K, D), lambda m: (0, 0)),
        ],
        out_specs=pl.BlockSpec((1, 1, BM), lambda m: (m, 0, 0)),
        out_shape=jax.ShapeDtypeStruct((g, 1, BM), jnp.int32),
        scratch_shapes=[pltpu.VMEM((K, 1), jnp.float32)],
    )(x2, weight)


@functools.cache
def _sc_gather(offset, nrows):
    rows_per_w = nrows // NW
    nch = rows_per_w // GCH

    nbuf = 3

    def body(idx_hbm, w_hbm, out_hbm, idx_all, *bufs):
        rows = bufs[:nbuf]
        gsem = bufs[nbuf:2 * nbuf]
        ssem = bufs[2 * nbuf:]
        wid = lax.axis_index("s") * NC + lax.axis_index("c")
        base = wid * rows_per_w
        pltpu.sync_copy(idx_hbm.at[pl.ds(base, rows_per_w)], idx_all)

        gath = [None] * nbuf
        stor = [None] * nbuf

        def start_gather(c):
            b = c % nbuf
            gath[b] = pltpu.async_copy(
                w_hbm.at[idx_all.at[pl.ds(c * GCH, GCH)]], rows[b], gsem[b])

        for c in range(min(nbuf - 1, nch)):
            start_gather(c)
        for c in range(nch):
            b = c % nbuf
            nxt = c + nbuf - 1
            if nxt < nch:
                if c >= 1:
                    stor[nxt % nbuf].wait()
                start_gather(nxt)
            gath[b].wait()
            stor[b] = pltpu.async_copy(
                rows[b], out_hbm.at[pl.ds(offset + base + c * GCH, GCH)],
                ssem[b])
        for b in range(min(nbuf, nch)):
            stor[b].wait()

    return functools.partial(
        pl.kernel,
        out_type=jax.ShapeDtypeStruct((M, D), jnp.float32),
        mesh=plsc.VectorSubcoreMesh(core_axis_name="c", subcore_axis_name="s"),
        scratch_types=[
            pltpu.VMEM((rows_per_w,), jnp.int32),
            *[pltpu.VMEM((GCH, D), jnp.float32) for _ in range(nbuf)],
            *[pltpu.SemaphoreType.DMA for _ in range(2 * nbuf)],
        ],
    )(body)


def kernel(input, weight):
    x2 = input.reshape(M, D)
    idx_flat = _tc_argmin(x2, weight, G).reshape(M)
    vectors = _sc_gather(0, M)(idx_flat, weight).reshape(B, HW, D)
    indices = idx_flat.reshape(B, HW)
    return vectors, indices, vectors

# --- scband reference (transcript-rebuilt; emitter-appended) ---
"""Pipeline reference for scband-vector-quantized-vae-23063974379562 (READ-ONLY COPY).

The authoritative reference and input builder live on the scoring server;
editing this copy changes nothing except your own understanding.
"""

import jax, jax.numpy as jnp
import numpy as np

NUM_EMBEDDINGS = 8192
EMBEDDING_DIM = 256

def setup_inputs(seed: int = 0) -> dict:
    key = jax.random.key(seed)
    k1, k2 = jax.random.split(key)
    x = jax.random.normal(k1, (32, 576, EMBEDDING_DIM), dtype=jnp.float32)
    weight = jax.random.normal(k2, (NUM_EMBEDDINGS, EMBEDDING_DIM), dtype=jnp.float32)
    return {"input": x, "weight": weight}

def reference(input, weight):
    # lookup: argmin_k 0.5*||mu_k||^2 - <z, mu_k>  (implemented as ||mu_k||^2 - 2<z,mu_k>)
    sqr = jnp.sum(weight * weight, axis=1)                      # [K]
    cov = jnp.einsum('...j,kj->...k', input, weight)            # [B, HW, K]
    indices = jnp.argmin(sqr - 2.0 * cov, axis=-1)              # [B, HW]
    # fetch: embedding gather; with at=-1 the permute is the identity
    vectors = jnp.take(weight, indices, axis=0)                 # [B, HW, D]
    # straight-through estimator output (values)
    values = jax.lax.stop_gradient(vectors - input) + input
    return values, indices, vectors

if __name__ == "__main__":
    import jax
    _d = setup_inputs()
    print(jax.jit(kernel)(*tuple(_d.values())))

</pallas_src>

<mosaic_0001>
#map = affine_map<(d0, d1) -> (0)>
#map1 = affine_map<(d0, d1) -> (0, 0)>
module attributes {stable_mosaic.version = 14 : i64} {
  func.func @body(%arg0: i32, %arg1: i32, %arg2: memref<18432xi32, #tpu.memory_space<hbm>>, %arg3: memref<8192x256xf32, #tpu.memory_space<hbm>>, %arg4: memref<18432x256xf32, #tpu.memory_space<hbm>>, %arg5: memref<576xi32, #tpu.memory_space<vmem>>, %arg6: memref<96x256xf32, #tpu.memory_space<vmem>>, %arg7: memref<96x256xf32, #tpu.memory_space<vmem>>, %arg8: memref<96x256xf32, #tpu.memory_space<vmem>>, %arg9: memref<!tpu.dma_semaphore, #tpu.memory_space<semaphore_mem>>, %arg10: memref<!tpu.dma_semaphore, #tpu.memory_space<semaphore_mem>>, %arg11: memref<!tpu.dma_semaphore, #tpu.memory_space<semaphore_mem>>, %arg12: memref<!tpu.dma_semaphore, #tpu.memory_space<semaphore_mem>>, %arg13: memref<!tpu.dma_semaphore, #tpu.memory_space<semaphore_mem>>, %arg14: memref<!tpu.dma_semaphore, #tpu.memory_space<semaphore_mem>>) attributes {dimension_semantics = [#tpu.dimension_semantics<core_parallel>, #tpu.dimension_semantics<subcore_parallel>], iteration_bounds = array<i64: 2, 16>, scalar_prefetch = 0 : i64, scratch_operands = 10 : i64, tpu.core_type = #tpu.core_type<sc_vector_subcore>, window_params = [{transform_indices = #map}, {transform_indices = #map1}, {transform_indices = #map1}]} {
    %mul3A = arith.constant 2 : i32
    %mul3A_0 = arith.muli %arg1, %mul3A : i32
    %add3A = arith.addi %mul3A_0, %arg0 : i32
    %mul3A_1 = arith.constant 576 : i32
    %mul3A_2 = arith.muli %add3A, %mul3A_1 : i32
    "tpu.region"() ({
      %run_scoped3A = tpu.sem_alloc : memref<!tpu.dma_semaphore, #tpu.memory_space<semaphore_mem>>
      %dma_start3A_133 = tpu.memref_slice %arg2[%mul3A_2] : memref<18432xi32, #tpu.memory_space<hbm>> -> memref<576xi32, #tpu.memory_space<hbm>>
      %dma_start3A_134 = tpu.memref_slice %arg2[%mul3A_2] : memref<18432xi32, #tpu.memory_space<hbm>> -> memref<576xi32, #tpu.memory_space<hbm>>
      tpu.enqueue_dma source(%dma_start3A_134 : memref<576xi32, #tpu.memory_space<hbm>>) target(%arg5 : memref<576xi32, #tpu.memory_space<vmem>>) target_semaphore(%run_scoped3A : memref<!tpu.dma_semaphore, #tpu.memory_space<semaphore_mem>>)
      %dma_wait3A_135 = tpu.memref_slice %arg2[%mul3A_2] : memref<18432xi32, #tpu.memory_space<hbm>> -> memref<576xi32, #tpu.memory_space<hbm>>
      %dma_wait3A_136 = tpu.memref_slice %arg2[%mul3A_2] : memref<18432xi32, #tpu.memory_space<hbm>> -> memref<576xi32, #tpu.memory_space<hbm>>
      tpu.wait_dma2 semaphore(%run_scoped3A : memref<!tpu.dma_semaphore, #tpu.memory_space<semaphore_mem>>) src(%dma_wait3A_136 : memref<576xi32, #tpu.memory_space<hbm>>) dst(%arg5 : memref<576xi32, #tpu.memory_space<vmem>>)
      tpu.yield
    }) : () -> ()
    %dma_start3A = arith.constant 0 : i32
    %dma_start3A_3 = tpu.memref_slice %arg5[%dma_start3A] : memref<576xi32, #tpu.memory_space<vmem>> -> memref<96xi32, #tpu.memory_space<vmem>>
    %dma_start3A_4 = arith.constant 0 : i32
    %dma_start3A_5 = arith.constant 0 : i32
    %dma_start3A_6 = tpu.memref_slice %arg3[%dma_start3A_4, %dma_start3A_5] : memref<8192x256xf32, #tpu.memory_space<hbm>> -> memref<8192x256xf32, #tpu.memory_space<hbm>>
    tpu.enqueue_indirect_dma source(%dma_start3A_6 : memref<8192x256xf32, #tpu.memory_space<hbm>>) target(%arg6 : memref<96x256xf32, #tpu.memory_space<vmem>>) offsets(%dma_start3A_3 : memref<96xi32, #tpu.memory_space<vmem>>) semaphore(%arg9 : memref<!tpu.dma_semaphore, #tpu.memory_space<semaphore_mem>>)
    %dma_start3A_7 = arith.constant 96 : i32
    %dma_start3A_8 = tpu.memref_slice %arg5[%dma_start3A_7] : memref<576xi32, #tpu.memory_space<vmem>> -> memref<96xi32, #tpu.memory_space<vmem>>
    %dma_start3A_9 = arith.constant 0 : i32
    %dma_start3A_10 = arith.constant 0 : i32
    %dma_start3A_11 = tpu.memref_slice %arg3[%dma_start3A_9, %dma_start3A_10] : memref<8192x256xf32, #tpu.memory_space<hbm>> -> memref<8192x256xf32, #tpu.memory_space<hbm>>
    tpu.enqueue_indirect_dma source(%dma_start3A_11 : memref<8192x256xf32, #tpu.memory_space<hbm>>) target(%arg7 : memref<96x256xf32, #tpu.memory_space<vmem>>) offsets(%dma_start3A_8 : memref<96xi32, #tpu.memory_space<vmem>>) semaphore(%arg10 : memref<!tpu.dma_semaphore, #tpu.memory_space<semaphore_mem>>)
    %dma_start3A_12 = arith.constant 192 : i32
    %dma_start3A_13 = tpu.memref_slice %arg5[%dma_start3A_12] : memref<576xi32, #tpu.memory_space<vmem>> -> memref<96xi32, #tpu.memory_space<vmem>>
    %dma_start3A_14 = arith.constant 0 : i32
    %dma_start3A_15 = arith.constant 0 : i32
    %dma_start3A_16 = tpu.memref_slice %arg3[%dma_start3A_14, %dma_start3A_15] : memref<8192x256xf32, #tpu.memory_space<hbm>> -> memref<8192x256xf32, #tpu.memory_space<hbm>>
    tpu.enqueue_indirect_dma source(%dma_start3A_16 : memref<8192x256xf32, #tpu.memory_space<hbm>>) target(%arg8 : memref<96x256xf32, #tpu.memory_space<vmem>>) offsets(%dma_start3A_13 : memref<96xi32, #tpu.memory_space<vmem>>) semaphore(%arg11 : memref<!tpu.dma_semaphore, #tpu.memory_space<semaphore_mem>>)
    %dma_wait3A = arith.constant 0 : i32
    %dma_wait3A_17 = tpu.memref_slice %arg5[%dma_wait3A] : memref<576xi32, #tpu.memory_space<vmem>> -> memref<96xi32, #tpu.memory_space<vmem>>
    %dma_wait3A_18 = arith.constant 0 : i32
    %dma_wait3A_19 = arith.constant 0 : i32
    %dma_wait3A_20 = tpu.memref_slice %arg3[%dma_wait3A_18, %dma_wait3A_19] : memref<8192x256xf32, #tpu.memory_space<hbm>> -> memref<8192x256xf32, #tpu.memory_space<hbm>>
    tpu.wait_indirect_dma semaphore(%arg9 : memref<!tpu.dma_semaphore, #tpu.memory_space<semaphore_mem>>) src(%dma_wait3A_20 : memref<8192x256xf32, #tpu.memory_space<hbm>>) dst(%arg6 : memref<96x256xf32, #tpu.memory_space<vmem>>)
    %add3A_21 = arith.constant 0 : i32
    %add3A_22 = arith.addi %add3A_21, %mul3A_2 : i32
    %add3A_23 = arith.constant 0 : i32
    %add3A_24 = arith.addi %add3A_22, %add3A_23 : i32
    %dma_start3A_25 = arith.constant 0 : i32
    %dma_start3A_26 = tpu.memref_slice %arg4[%add3A_24, %dma_start3A_25] : memref<18432x256xf32, #tpu.memory_space<hbm>> -> memref<96x256xf32, #tpu.memory_space<hbm>>
    %dma_start3A_27 = arith.constant 0 : i32
    %dma_start3A_28 = tpu.memref_slice %arg4[%add3A_24, %dma_start3A_27] : memref<18432x256xf32, #tpu.memory_space<hbm>> -> memref<96x256xf32, #tpu.memory_space<hbm>>
    tpu.enqueue_dma source(%arg6 : memref<96x256xf32, #tpu.memory_space<vmem>>) target(%dma_start3A_28 : memref<96x256xf32, #tpu.memory_space<hbm>>) target_semaphore(%arg12 : memref<!tpu.dma_semaphore, #tpu.memory_space<semaphore_mem>>)
    %dma_wait3A_29 = arith.constant 0 : i32
    %dma_wait3A_30 = tpu.memref_slice %arg4[%add3A_24, %dma_wait3A_29] : memref<18432x256xf32, #tpu.memory_space<hbm>> -> memref<96x256xf32, #tpu.memory_space<hbm>>
    %dma_wait3A_31 = arith.constant 0 : i32
    %dma_wait3A_32 = tpu.memref_slice %arg4[%add3A_24, %dma_wait3A_31] : memref<18432x256xf32, #tpu.memory_space<hbm>> -> memref<96x256xf32, #tpu.memory_space<hbm>>
    tpu.wait_dma2 semaphore(%arg12 : memref<!tpu.dma_semaphore, #tpu.memory_space<semaphore_mem>>) src(%arg6 : memref<96x256xf32, #tpu.memory_space<vmem>>) dst(%dma_wait3A_32 : memref<96x256xf32, #tpu.memory_space<hbm>>)
    %dma_start3A_33 = arith.constant 288 : i32
    %dma_start3A_34 = tpu.memref_slice %arg5[%dma_start3A_33] : memref<576xi32, #tpu.memory_space<vmem>> -> memref<96xi32, #tpu.memory_space<vmem>>
    %dma_start3A_35 = arith.constant 0 : i32
    %dma_start3A_36 = arith.constant 0 : i32
    %dma_start3A_37 = tpu.memref_slice %arg3[%dma_start3A_35, %dma_start3A_36] : memref<8192x256xf32, #tpu.memory_space<hbm>> -> memref<8192x256xf32, #tpu.memory_space<hbm>>
    tpu.enqueue_indirect_dma source(%dma_start3A_37 : memref<8192x256xf32, #tpu.memory_space<hbm>>) target(%arg6 : memref<96x256xf32, #tpu.memory_space<vmem>>) offsets(%dma_start3A_34 : memref<96xi32, #tpu.memory_space<vmem>>) semaphore(%arg9 : memref<!tpu.dma_semaphore, #tpu.memory_space<semaphore_mem>>)
    %dma_wait3A_38 = arith.constant 96 : i32
    %dma_wait3A_39 = tpu.memref_slice %arg5[%dma_wait3A_38] : memref<576xi32, #tpu.memory_space<vmem>> -> memref<96xi32, #tpu.memory_space<vmem>>
    %dma_wait3A_40 = arith.constant 0 : i32
    %dma_wait3A_41 = arith.constant 0 : i32
    %dma_wait3A_42 = tpu.memref_slice %arg3[%dma_wait3A_40, %dma_wait3A_41] : memref<8192x256xf32, #tpu.memory_space<hbm>> -> memref<8192x256xf32, #tpu.memory_space<hbm>>
    tpu.wait_indirect_dma semaphore(%arg10 : memref<!tpu.dma_semaphore, #tpu.memory_space<semaphore_mem>>) src(%dma_wait3A_42 : memref<8192x256xf32, #tpu.memory_space<hbm>>) dst(%arg7 : memref<96x256xf32, #tpu.memory_space<vmem>>)
    %add3A_43 = arith.constant 0 : i32
    %add3A_44 = arith.addi %add3A_43, %mul3A_2 : i32
    %add3A_45 = arith.constant 96 : i32
    %add3A_46 = arith.addi %add3A_44, %add3A_45 : i32
    %dma_start3A_47 = arith.constant 0 : i32
    %dma_start3A_48 = tpu.memref_slice %arg4[%add3A_46, %dma_start3A_47] : memref<18432x256xf32, #tpu.memory_space<hbm>> -> memref<96x256xf32, #tpu.memory_space<hbm>>
    %dma_start3A_49 = arith.constant 0 : i32
    %dma_start3A_50 = tpu.memref_slice %arg4[%add3A_46, %dma_start3A_49] : memref<18432x256xf32, #tpu.memory_space<hbm>> -> memref<96x256xf32, #tpu.memory_space<hbm>>
    tpu.enqueue_dma source(%arg7 : memref<96x256xf32, #tpu.memory_space<vmem>>) target(%dma_start3A_50 : memref<96x256xf32, #tpu.memory_space<hbm>>) target_semaphore(%arg13 : memref<!tpu.dma_semaphore, #tpu.memory_space<semaphore_mem>>)
    %dma_wait3A_51 = arith.constant 0 : i32
    %dma_wait3A_52 = tpu.memref_slice %arg4[%add3A_46, %dma_wait3A_51] : memref<18432x256xf32, #tpu.memory_space<hbm>> -> memref<96x256xf32, #tpu.memory_space<hbm>>
    %dma_wait3A_53 = arith.constant 0 : i32
    %dma_wait3A_54 = tpu.memref_slice %arg4[%add3A_46, %dma_wait3A_53] : memref<18432x256xf32, #tpu.memory_space<hbm>> -> memref<96x256xf32, #tpu.memory_space<hbm>>
    tpu.wait_dma2 semaphore(%arg13 : memref<!tpu.dma_semaphore, #tpu.memory_space<semaphore_mem>>) src(%arg7 : memref<96x256xf32, #tpu.memory_space<vmem>>) dst(%dma_wait3A_54 : memref<96x256xf32, #tpu.memory_space<hbm>>)
    %dma_start3A_55 = arith.constant 384 : i32
    %dma_start3A_56 = tpu.memref_slice %arg5[%dma_start3A_55] : memref<576xi32, #tpu.memory_space<vmem>> -> memref<96xi32, #tpu.memory_space<vmem>>
    %dma_start3A_57 = arith.constant 0 : i32
    %dma_start3A_58 = arith.constant 0 : i32
    %dma_start3A_59 = tpu.memref_slice %arg3[%dma_start3A_57, %dma_start3A_58] : memref<8192x256xf32, #tpu.memory_space<hbm>> -> memref<8192x256xf32, #tpu.memory_space<hbm>>
    tpu.enqueue_indirect_dma source(%dma_start3A_59 : memref<8192x256xf32, #tpu.memory_space<hbm>>) target(%arg7 : memref<96x256xf32, #tpu.memory_space<vmem>>) offsets(%dma_start3A_56 : memref<96xi32, #tpu.memory_space<vmem>>) semaphore(%arg10 : memref<!tpu.dma_semaphore, #tpu.memory_space<semaphore_mem>>)
    %dma_wait3A_60 = arith.constant 192 : i32
    %dma_wait3A_61 = tpu.memref_slice %arg5[%dma_wait3A_60] : memref<576xi32, #tpu.memory_space<vmem>> -> memref<96xi32, #tpu.memory_space<vmem>>
    %dma_wait3A_62 = arith.constant 0 : i32
    %dma_wait3A_63 = arith.constant 0 : i32
    %dma_wait3A_64 = tpu.memref_slice %arg3[%dma_wait3A_62, %dma_wait3A_63] : memref<8192x256xf32, #tpu.memory_space<hbm>> -> memref<8192x256xf32, #tpu.memory_space<hbm>>
    tpu.wait_indirect_dma semaphore(%arg11 : memref<!tpu.dma_semaphore, #tpu.memory_space<semaphore_mem>>) src(%dma_wait3A_64 : memref<8192x256xf32, #tpu.memory_space<hbm>>) dst(%arg8 : memref<96x256xf32, #tpu.memory_space<vmem>>)
    %add3A_65 = arith.constant 0 : i32
    %add3A_66 = arith.addi %add3A_65, %mul3A_2 : i32
    %add3A_67 = arith.constant 192 : i32
    %add3A_68 = arith.addi %add3A_66, %add3A_67 : i32
    %dma_start3A_69 = arith.constant 0 : i32
    %dma_start3A_70 = tpu.memref_slice %arg4[%add3A_68, %dma_start3A_69] : memref<18432x256xf32, #tpu.memory_space<hbm>> -> memref<96x256xf32, #tpu.memory_space<hbm>>
    %dma_start3A_71 = arith.constant 0 : i32
    %dma_start3A_72 = tpu.memref_slice %arg4[%add3A_68, %dma_start3A_71] : memref<18432x256xf32, #tpu.memory_space<hbm>> -> memref<96x256xf32, #tpu.memory_space<hbm>>
    tpu.enqueue_dma source(%arg8 : memref<96x256xf32, #tpu.memory_space<vmem>>) target(%dma_start3A_72 : memref<96x256xf32, #tpu.memory_space<hbm>>) target_semaphore(%arg14 : memref<!tpu.dma_semaphore, #tpu.memory_space<semaphore_mem>>)
    %dma_wait3A_73 = arith.constant 0 : i32
    %dma_wait3A_74 = tpu.memref_slice %arg4[%add3A_68, %dma_wait3A_73] : memref<18432x256xf32, #tpu.memory_space<hbm>> -> memref<96x256xf32, #tpu.memory_space<hbm>>
    %dma_wait3A_75 = arith.constant 0 : i32
    %dma_wait3A_76 = tpu.memref_slice %arg4[%add3A_68, %dma_wait3A_75] : memref<18432x256xf32, #tpu.memory_space<hbm>> -> memref<96x256xf32, #tpu.memory_space<hbm>>
    tpu.wait_dma2 semaphore(%arg14 : memref<!tpu.dma_semaphore, #tpu.memory_space<semaphore_mem>>) src(%arg8 : memref<96x256xf32, #tpu.memory_space<vmem>>) dst(%dma_wait3A_76 : memref<96x256xf32, #tpu.memory_space<hbm>>)
    %dma_start3A_77 = arith.constant 480 : i32
    %dma_start3A_78 = tpu.memref_slice %arg5[%dma_start3A_77] : memref<576xi32, #tpu.memory_space<vmem>> -> memref<96xi32, #tpu.memory_space<vmem>>
    %dma_start3A_79 = arith.constant 0 : i32
    %dma_start3A_80 = arith.constant 0 : i32
    %dma_start3A_81 = tpu.memref_slice %arg3[%dma_start3A_79, %dma_start3A_80] : memref<8192x256xf32, #tpu.memory_space<hbm>> -> memref<8192x256xf32, #tpu.memory_space<hbm>>
    tpu.enqueue_indirect_dma source(%dma_start3A_81 : memref<8192x256xf32, #tpu.memory_space<hbm>>) target(%arg8 : memref<96x256xf32, #tpu.memory_space<vmem>>) offsets(%dma_start3A_78 : memref<96xi32, #tpu.memory_space<vmem>>) semaphore(%arg11 : memref<!tpu.dma_semaphore, #tpu.memory_space<semaphore_mem>>)
    %dma_wait3A_82 = arith.constant 288 : i32
    %dma_wait3A_83 = tpu.memref_slice %arg5[%dma_wait3A_82] : memref<576xi32, #tpu.memory_space<vmem>> -> memref<96xi32, #tpu.memory_space<vmem>>
    %dma_wait3A_84 = arith.constant 0 : i32
    %dma_wait3A_85 = arith.constant 0 : i32
    %dma_wait3A_86 = tpu.memref_slice %arg3[%dma_wait3A_84, %dma_wait3A_85] : memref<8192x256xf32, #tpu.memory_space<hbm>> -> memref<8192x256xf32, #tpu.memory_space<hbm>>
    tpu.wait_indirect_dma semaphore(%arg9 : memref<!tpu.dma_semaphore, #tpu.memory_space<semaphore_mem>>) src(%dma_wait3A_86 : memref<8192x256xf32, #tpu.memory_space<hbm>>) dst(%arg6 : memref<96x256xf32, #tpu.memory_space<vmem>>)
    %add3A_87 = arith.constant 0 : i32
    %add3A_88 = arith.addi %add3A_87, %mul3A_2 : i32
    %add3A_89 = arith.constant 288 : i32
    %add3A_90 = arith.addi %add3A_88, %add3A_89 : i32
    %dma_start3A_91 = arith.constant 0 : i32
    %dma_start3A_92 = tpu.memref_slice %arg4[%add3A_90, %dma_start3A_91] : memref<18432x256xf32, #tpu.memory_space<hbm>> -> memref<96x256xf32, #tpu.memory_space<hbm>>
    %dma_start3A_93 = arith.constant 0 : i32
    %dma_start3A_94 = tpu.memref_slice %arg4[%add3A_90, %dma_start3A_93] : memref<18432x256xf32, #tpu.memory_space<hbm>> -> memref<96x256xf32, #tpu.memory_space<hbm>>
    tpu.enqueue_dma source(%arg6 : memref<96x256xf32, #tpu.memory_space<vmem>>) target(%dma_start3A_94 : memref<96x256xf32, #tpu.memory_space<hbm>>) target_semaphore(%arg12 : memref<!tpu.dma_semaphore, #tpu.memory_space<semaphore_mem>>)
    %dma_wait3A_95 = arith.constant 384 : i32
    %dma_wait3A_96 = tpu.memref_slice %arg5[%dma_wait3A_95] : memref<576xi32, #tpu.memory_space<vmem>> -> memref<96xi32, #tpu.memory_space<vmem>>
    %dma_wait3A_97 = arith.constant 0 : i32
    %dma_wait3A_98 = arith.constant 0 : i32
    %dma_wait3A_99 = tpu.memref_slice %arg3[%dma_wait3A_97, %dma_wait3A_98] : memref<8192x256xf32, #tpu.memory_space<hbm>> -> memref<8192x256xf32, #tpu.memory_space<hbm>>
    tpu.wait_indirect_dma semaphore(%arg10 : memref<!tpu.dma_semaphore, #tpu.memory_space<semaphore_mem>>) src(%dma_wait3A_99 : memref<8192x256xf32, #tpu.memory_space<hbm>>) dst(%arg7 : memref<96x256xf32, #tpu.memory_space<vmem>>)
    %add3A_100 = arith.constant 0 : i32
    %add3A_101 = arith.addi %add3A_100, %mul3A_2 : i32
    %add3A_102 = arith.constant 384 : i32
    %add3A_103 = arith.addi %add3A_101, %add3A_102 : i32
    %dma_start3A_104 = arith.constant 0 : i32
    %dma_start3A_105 = tpu.memref_slice %arg4[%add3A_103, %dma_start3A_104] : memref<18432x256xf32, #tpu.memory_space<hbm>> -> memref<96x256xf32, #tpu.memory_space<hbm>>
    %dma_start3A_106 = arith.constant 0 : i32
    %dma_start3A_107 = tpu.memref_slice %arg4[%add3A_103, %dma_start3A_106] : memref<18432x256xf32, #tpu.memory_space<hbm>> -> memref<96x256xf32, #tpu.memory_space<hbm>>
    tpu.enqueue_dma source(%arg7 : memref<96x256xf32, #tpu.memory_space<vmem>>) target(%dma_start3A_107 : memref<96x256xf32, #tpu.memory_space<hbm>>) target_semaphore(%arg13 : memref<!tpu.dma_semaphore, #tpu.memory_space<semaphore_mem>>)
    %dma_wait3A_108 = arith.constant 480 : i32
    %dma_wait3A_109 = tpu.memref_slice %arg5[%dma_wait3A_108] : memref<576xi32, #tpu.memory_space<vmem>> -> memref<96xi32, #tpu.memory_space<vmem>>
    %dma_wait3A_110 = arith.constant 0 : i32
    %dma_wait3A_111 = arith.constant 0 : i32
    %dma_wait3A_112 = tpu.memref_slice %arg3[%dma_wait3A_110, %dma_wait3A_111] : memref<8192x256xf32, #tpu.memory_space<hbm>> -> memref<8192x256xf32, #tpu.memory_space<hbm>>
    tpu.wait_indirect_dma semaphore(%arg11 : memref<!tpu.dma_semaphore, #tpu.memory_space<semaphore_mem>>) src(%dma_wait3A_112 : memref<8192x256xf32, #tpu.memory_space<hbm>>) dst(%arg8 : memref<96x256xf32, #tpu.memory_space<vmem>>)
    %add3A_113 = arith.constant 0 : i32
    %add3A_114 = arith.addi %add3A_113, %mul3A_2 : i32
    %add3A_115 = arith.constant 480 : i32
    %add3A_116 = arith.addi %add3A_114, %add3A_115 : i32
    %dma_start3A_117 = arith.constant 0 : i32
    %dma_start3A_118 = tpu.memref_slice %arg4[%add3A_116, %dma_start3A_117] : memref<18432x256xf32, #tpu.memory_space<hbm>> -> memref<96x256xf32, #tpu.memory_space<hbm>>
    %dma_start3A_119 = arith.constant 0 : i32
    %dma_start3A_120 = tpu.memref_slice %arg4[%add3A_116, %dma_start3A_119] : memref<18432x256xf32, #tpu.memory_space<hbm>> -> memref<96x256xf32, #tpu.memory_space<hbm>>
    tpu.enqueue_dma source(%arg8 : memref<96x256xf32, #tpu.memory_space<vmem>>) target(%dma_start3A_120 : memref<96x256xf32, #tpu.memory_space<hbm>>) target_semaphore(%arg14 : memref<!tpu.dma_semaphore, #tpu.memory_space<semaphore_mem>>)
    %dma_wait3A_121 = arith.constant 0 : i32
    %dma_wait3A_122 = tpu.memref_slice %arg4[%add3A_90, %dma_wait3A_121] : memref<18432x256xf32, #tpu.memory_space<hbm>> -> memref<96x256xf32, #tpu.memory_space<hbm>>
    %dma_wait3A_123 = arith.constant 0 : i32
    %dma_wait3A_124 = tpu.memref_slice %arg4[%add3A_90, %dma_wait3A_123] : memref<18432x256xf32, #tpu.memory_space<hbm>> -> memref<96x256xf32, #tpu.memory_space<hbm>>
    tpu.wait_dma2 semaphore(%arg12 : memref<!tpu.dma_semaphore, #tpu.memory_space<semaphore_mem>>) src(%arg6 : memref<96x256xf32, #tpu.memory_space<vmem>>) dst(%dma_wait3A_124 : memref<96x256xf32, #tpu.memory_space<hbm>>)
    %dma_wait3A_125 = arith.constant 0 : i32
    %dma_wait3A_126 = tpu.memref_slice %arg4[%add3A_103, %dma_wait3A_125] : memref<18432x256xf32, #tpu.memory_space<hbm>> -> memref<96x256xf32, #tpu.memory_space<hbm>>
    %dma_wait3A_127 = arith.constant 0 : i32
    %dma_wait3A_128 = tpu.memref_slice %arg4[%add3A_103, %dma_wait3A_127] : memref<18432x256xf32, #tpu.memory_space<hbm>> -> memref<96x256xf32, #tpu.memory_space<hbm>>
    tpu.wait_dma2 semaphore(%arg13 : memref<!tpu.dma_semaphore, #tpu.memory_space<semaphore_mem>>) src(%arg7 : memref<96x256xf32, #tpu.memory_space<vmem>>) dst(%dma_wait3A_128 : memref<96x256xf32, #tpu.memory_space<hbm>>)
    %dma_wait3A_129 = arith.constant 0 : i32
    %dma_wait3A_130 = tpu.memref_slice %arg4[%add3A_116, %dma_wait3A_129] : memref<18432x256xf32, #tpu.memory_space<hbm>> -> memref<96x256xf32, #tpu.memory_space<hbm>>
    %dma_wait3A_131 = arith.constant 0 : i32
    %dma_wait3A_132 = tpu.memref_slice %arg4[%add3A_116, %dma_wait3A_131] : memref<18432x256xf32, #tpu.memory_space<hbm>> -> memref<96x256xf32, #tpu.memory_space<hbm>>
    tpu.wait_dma2 semaphore(%arg14 : memref<!tpu.dma_semaphore, #tpu.memory_space<semaphore_mem>>) src(%arg8 : memref<96x256xf32, #tpu.memory_space<vmem>>) dst(%dma_wait3A_132 : memref<96x256xf32, #tpu.memory_space<hbm>>)
    return
  }
}

module attributes {stable_mosaic.version = 14 : i64} {
  func.func @_argmin_body(%arg0: i32, %arg1: memref<2048x256xf32, #tpu.memory_space<vmem>>, %arg2: memref<8192x256xf32, #tpu.memory_space<vmem>>, %arg3: memref<1x1x2048xi32, #tpu.memory_space<vmem>>, %arg4: memref<8192x1xf32, #tpu.memory_space<vmem>>) attributes {dimension_semantics = [#tpu.dimension_semantics<arbitrary>], iteration_bounds = array<i64: 9>, scalar_prefetch = 0 : i64, scratch_operands = 1 : i64, tpu.core_type = #tpu.core_type<tc>, window_params = [{transform_indices = @transform_0, window_bounds = array<i64: 2048, 256>}, {pipeline_mode = #tpu.pipeline_mode<synchronous>, transform_indices = @transform_1, window_bounds = array<i64: 8192, 256>}, {transform_indices = @transform_2, window_bounds = array<i64: 1, 1, 2048>}]} {
    %eq3A = arith.constant 0 : i32
    %eq3A_0 = arith.cmpi eq, %arg0, %eq3A : i32
    %convert_element_type3A = arith.extui %eq3A_0 : i1 to i32
    %cond3A = arith.constant 0 : i32
    %cond3A_1 = arith.cmpi ne, %convert_element_type3A, %cond3A : i32
    scf.if %cond3A_1 {
      %get3A_87 = arith.constant 0 : index
      %get3A_88 = arith.constant 0 : index
      %get3A_89 = vector.load %arg2[%get3A_87, %get3A_88] : memref<8192x256xf32, #tpu.memory_space<vmem>>, vector<2048x256xf32>
      %mul3A_90 = arith.mulf %get3A_89, %get3A_89 : vector<2048x256xf32>
      %reduce_sum3A = arith.constant dense<0.000000e+00> : vector<2048xf32>
      %reduce_sum3A_91 = vector.multi_reduction <add>, %mul3A_90, %reduce_sum3A [1] : vector<2048x256xf32> to vector<2048xf32>
      %broadcast_in_dim3A_92 = vector.shape_cast %reduce_sum3A_91 : vector<2048xf32> to vector<2048x1xf32>
      %swap3A_93 = arith.constant 0 : index
      %swap3A_94 = arith.constant 0 : index
      %swap3A_95 = vector.load %arg4[%swap3A_93, %swap3A_94] : memref<8192x1xf32, #tpu.memory_space<vmem>>, vector<2048x1xf32>
      tpu.vector_store %arg4[%swap3A_93, %swap3A_94], %broadcast_in_dim3A_92 {strides = array<i32>} : memref<8192x1xf32, #tpu.memory_space<vmem>>, vector<2048x1xf32>,
      %get3A_96 = arith.constant 2048 : index
      %get3A_97 = arith.constant 0 : index
      %get3A_98 = vector.load %arg2[%get3A_96, %get3A_97] : memref<8192x256xf32, #tpu.memory_space<vmem>>, vector<2048x256xf32>
      %mul3A_99 = arith.mulf %get3A_98, %get3A_98 : vector<2048x256xf32>
      %reduce_sum3A_100 = arith.constant dense<0.000000e+00> : vector<2048xf32>
      %reduce_sum3A_101 = vector.multi_reduction <add>, %mul3A_99, %reduce_sum3A_100 [1] : vector<2048x256xf32> to vector<2048xf32>
      %broadcast_in_dim3A_102 = vector.shape_cast %reduce_sum3A_101 : vector<2048xf32> to vector<2048x1xf32>
      %swap3A_103 = arith.constant 2048 : index
      %swap3A_104 = arith.constant 0 : index
      %swap3A_105 = vector.load %arg4[%swap3A_103, %swap3A_104] : memref<8192x1xf32, #tpu.memory_space<vmem>>, vector<2048x1xf32>
      tpu.vector_store %arg4[%swap3A_103, %swap3A_104], %broadcast_in_dim3A_102 {strides = array<i32>} : memref<8192x1xf32, #tpu.memory_space<vmem>>, vector<2048x1xf32>,
      %get3A_106 = arith.constant 4096 : index
      %get3A_107 = arith.constant 0 : index
      %get3A_108 = vector.load %arg2[%get3A_106, %get3A_107] : memref<8192x256xf32, #tpu.memory_space<vmem>>, vector<2048x256xf32>
      %mul3A_109 = arith.mulf %get3A_108, %get3A_108 : vector<2048x256xf32>
      %reduce_sum3A_110 = arith.constant dense<0.000000e+00> : vector<2048xf32>
      %reduce_sum3A_111 = vector.multi_reduction <add>, %mul3A_109, %reduce_sum3A_110 [1] : vector<2048x256xf32> to vector<2048xf32>
      %broadcast_in_dim3A_112 = vector.shape_cast %reduce_sum3A_111 : vector<2048xf32> to vector<2048x1xf32>
      %swap3A_113 = arith.constant 4096 : index
      %swap3A_114 = arith.constant 0 : index
      %swap3A_115 = vector.load %arg4[%swap3A_113, %swap3A_114] : memref<8192x1xf32, #tpu.memory_space<vmem>>, vector<2048x1xf32>
      tpu.vector_store %arg4[%swap3A_113, %swap3A_114], %broadcast_in_dim3A_112 {strides = array<i32>} : memref<8192x1xf32, #tpu.memory_space<vmem>>, vector<2048x1xf32>,
      %get3A_116 = arith.constant 6144 : index
      %get3A_117 = arith.constant 0 : index
      %get3A_118 = vector.load %arg2[%get3A_116, %get3A_117] : memref<8192x256xf32, #tpu.memory_space<vmem>>, vector<2048x256xf32>
      %mul3A_119 = arith.mulf %get3A_118, %get3A_118 : vector<2048x256xf32>
      %reduce_sum3A_120 = arith.constant dense<0.000000e+00> : vector<2048xf32>
      %reduce_sum3A_121 = vector.multi_reduction <add>, %mul3A_119, %reduce_sum3A_120 [1] : vector<2048x256xf32> to vector<2048xf32>
      %broadcast_in_dim3A_122 = vector.shape_cast %reduce_sum3A_121 : vector<2048xf32> to vector<2048x1xf32>
      %swap3A_123 = arith.constant 6144 : index
      %swap3A_124 = arith.constant 0 : index
      %swap3A_125 = vector.load %arg4[%swap3A_123, %swap3A_124] : memref<8192x1xf32, #tpu.memory_space<vmem>>, vector<2048x1xf32>
      tpu.vector_store %arg4[%swap3A_123, %swap3A_124], %broadcast_in_dim3A_122 {strides = array<i32>} : memref<8192x1xf32, #tpu.memory_space<vmem>>, vector<2048x1xf32>,
    } else {
    }
    %get3A = arith.constant 0 : index
    %get3A_2 = arith.constant 0 : index
    %get3A_3 = vector.load %arg1[%get3A, %get3A_2] : memref<2048x256xf32, #tpu.memory_space<vmem>>, vector<2048x256xf32>
    %mul3A = arith.constant -2.000000e+00 : f32
    %mul3A_4 = vector.broadcast %mul3A : f32 to vector<2048x256xf32>
    %mul3A_5 = arith.mulf %get3A_3, %mul3A_4 : vector<2048x256xf32>
    %get3A_6 = arith.constant 0 : index
    %get3A_7 = arith.constant 0 : index
    %get3A_8 = vector.load %arg2[%get3A_6, %get3A_7] : memref<8192x256xf32, #tpu.memory_space<vmem>>, vector<2048x256xf32>
    %dot_general3A = arith.constant dense<0.000000e+00> : vector<2048x2048xf32>
    %dot_general3A_9 = tpu.matmul %get3A_8, %mul3A_5, %dot_general3A {dimension_numbers = #tpu.dot_dimension_numbers<[1], [1], [0], [0], [0, 0, 1, 0], [], []>, transpose_lhs_hint = false} : vector<2048x256xf32>, vector<2048x256xf32>, vector<2048x2048xf32> -> vector<2048x2048xf32>
    %get3A_10 = arith.constant 0 : index
    %get3A_11 = arith.constant 0 : index
    %get3A_12 = vector.load %arg4[%get3A_10, %get3A_11] : memref<8192x1xf32, #tpu.memory_space<vmem>>, vector<2048x1xf32>
    %add3A = vector.broadcast %get3A_12 : vector<2048x1xf32> to vector<2048x2048xf32>
    %add3A_13 = arith.addf %dot_general3A_9, %add3A : vector<2048x2048xf32>
    %reduce_min3A = arith.constant dense<0x7F800000> : vector<2048xf32>
    %reduce_min3A_14 = vector.multi_reduction <minimumf>, %add3A_13, %reduce_min3A [0] : vector<2048x2048xf32> to vector<2048xf32>
    %broadcast_in_dim3A = vector.shape_cast %reduce_min3A_14 : vector<2048xf32> to vector<1x2048xf32>
    %argmin3A = tpu.reduce_index %add3A_13 {axis = 0 : i32, kind = #tpu.reduction_kind<arg_min>} : vector<2048x2048xf32> -> vector<2048xi32>
    %convert_element_type3A_15 = arith.sitofp %argmin3A : vector<2048xi32> to vector<2048xf32>
    %reshape3A = vector.shape_cast %convert_element_type3A_15 : vector<2048xf32> to vector<1x2048xf32>
    %add3A_16 = arith.constant 0.000000e+00 : f32
    %add3A_17 = vector.broadcast %add3A_16 : f32 to vector<1x2048xf32>
    %add3A_18 = arith.addf %reshape3A, %add3A_17 : vector<1x2048xf32>
    %get3A_19 = arith.constant 2048 : index
    %get3A_20 = arith.constant 0 : index
    %get3A_21 = vector.load %arg2[%get3A_19, %get3A_20] : memref<8192x256xf32, #tpu.memory_space<vmem>>, vector<2048x256xf32>
    %dot_general3A_22 = arith.constant dense<0.000000e+00> : vector<2048x2048xf32>
    %dot_general3A_23 = tpu.matmul %get3A_21, %mul3A_5, %dot_general3A_22 {dimension_numbers = #tpu.dot_dimension_numbers<[1], [1], [0], [0], [0, 0, 1, 0], [], []>, transpose_lhs_hint = false} : vector<2048x256xf32>, vector<2048x256xf32>, vector<2048x2048xf32> -> vector<2048x2048xf32>
    %get3A_24 = arith.constant 2048 : index
    %get3A_25 = arith.constant 0 : index
    %get3A_26 = vector.load %arg4[%get3A_24, %get3A_25] : memref<8192x1xf32, #tpu.memory_space<vmem>>, vector<2048x1xf32>
    %add3A_27 = vector.broadcast %get3A_26 : vector<2048x1xf32> to vector<2048x2048xf32>
    %add3A_28 = arith.addf %dot_general3A_23, %add3A_27 : vector<2048x2048xf32>
    %reduce_min3A_29 = arith.constant dense<0x7F800000> : vector<2048xf32>
    %reduce_min3A_30 = vector.multi_reduction <minimumf>, %add3A_28, %reduce_min3A_29 [0] : vector<2048x2048xf32> to vector<2048xf32>
    %broadcast_in_dim3A_31 = vector.shape_cast %reduce_min3A_30 : vector<2048xf32> to vector<1x2048xf32>
    %argmin3A_32 = tpu.reduce_index %add3A_28 {axis = 0 : i32, kind = #tpu.reduction_kind<arg_min>} : vector<2048x2048xf32> -> vector<2048xi32>
    %convert_element_type3A_33 = arith.sitofp %argmin3A_32 : vector<2048xi32> to vector<2048xf32>
    %reshape3A_34 = vector.shape_cast %convert_element_type3A_33 : vector<2048xf32> to vector<1x2048xf32>
    %add3A_35 = arith.constant 2.048000e+03 : f32
    %add3A_36 = vector.broadcast %add3A_35 : f32 to vector<1x2048xf32>
    %add3A_37 = arith.addf %reshape3A_34, %add3A_36 : vector<1x2048xf32>
    %lt3A = arith.cmpf olt, %broadcast_in_dim3A_31, %broadcast_in_dim3A : vector<1x2048xf32>
    %select_n3A = arith.select %lt3A, %add3A_37, %add3A_18 : vector<1x2048xi1>, vector<1x2048xf32>
    %select_n3A_38 = arith.select %lt3A, %broadcast_in_dim3A_31, %broadcast_in_dim3A : vector<1x2048xi1>, vector<1x2048xf32>
    %get3A_39 = arith.constant 4096 : index
    %get3A_40 = arith.constant 0 : index
    %get3A_41 = vector.load %arg2[%get3A_39, %get3A_40] : memref<8192x256xf32, #tpu.memory_space<vmem>>, vector<2048x256xf32>
    %dot_general3A_42 = arith.constant dense<0.000000e+00> : vector<2048x2048xf32>
    %dot_general3A_43 = tpu.matmul %get3A_41, %mul3A_5, %dot_general3A_42 {dimension_numbers = #tpu.dot_dimension_numbers<[1], [1], [0], [0], [0, 0, 1, 0], [], []>, transpose_lhs_hint = false} : vector<2048x256xf32>, vector<2048x256xf32>, vector<2048x2048xf32> -> vector<2048x2048xf32>
    %get3A_44 = arith.constant 4096 : index
    %get3A_45 = arith.constant 0 : index
    %get3A_46 = vector.load %arg4[%get3A_44, %get3A_45] : memref<8192x1xf32, #tpu.memory_space<vmem>>, vector<2048x1xf32>
    %add3A_47 = vector.broadcast %get3A_46 : vector<2048x1xf32> to vector<2048x2048xf32>
    %add3A_48 = arith.addf %dot_general3A_43, %add3A_47 : vector<2048x2048xf32>
    %reduce_min3A_49 = arith.constant dense<0x7F800000> : vector<2048xf32>
    %reduce_min3A_50 = vector.multi_reduction <minimumf>, %add3A_48, %reduce_min3A_49 [0] : vector<2048x2048xf32> to vector<2048xf32>
    %broadcast_in_dim3A_51 = vector.shape_cast %reduce_min3A_50 : vector<2048xf32> to vector<1x2048xf32>
    %argmin3A_52 = tpu.reduce_index %add3A_48 {axis = 0 : i32, kind = #tpu.reduction_kind<arg_min>} : vector<2048x2048xf32> -> vector<2048xi32>
    %convert_element_type3A_53 = arith.sitofp %argmin3A_52 : vector<2048xi32> to vector<2048xf32>
    %reshape3A_54 = vector.shape_cast %convert_element_type3A_53 : vector<2048xf32> to vector<1x2048xf32>
    %add3A_55 = arith.constant 4.096000e+03 : f32
    %add3A_56 = vector.broadcast %add3A_55 : f32 to vector<1x2048xf32>
    %add3A_57 = arith.addf %reshape3A_54, %add3A_56 : vector<1x2048xf32>
    %lt3A_58 = arith.cmpf olt, %broadcast_in_dim3A_51, %select_n3A_38 : vector<1x2048xf32>
    %select_n3A_59 = arith.select %lt3A_58, %add3A_57, %select_n3A : vector<1x2048xi1>, vector<1x2048xf32>
    %select_n3A_60 = arith.select %lt3A_58, %broadcast_in_dim3A_51, %select_n3A_38 : vector<1x2048xi1>, vector<1x2048xf32>
    %get3A_61 = arith.constant 6144 : index
    %get3A_62 = arith.constant 0 : index
    %get3A_63 = vector.load %arg2[%get3A_61, %get3A_62] : memref<8192x256xf32, #tpu.memory_space<vmem>>, vector<2048x256xf32>
    %dot_general3A_64 = arith.constant dense<0.000000e+00> : vector<2048x2048xf32>
    %dot_general3A_65 = tpu.matmul %get3A_63, %mul3A_5, %dot_general3A_64 {dimension_numbers = #tpu.dot_dimension_numbers<[1], [1], [0], [0], [0, 0, 1, 0], [], []>, transpose_lhs_hint = false} : vector<2048x256xf32>, vector<2048x256xf32>, vector<2048x2048xf32> -> vector<2048x2048xf32>
    %get3A_66 = arith.constant 6144 : index
    %get3A_67 = arith.constant 0 : index
    %get3A_68 = vector.load %arg4[%get3A_66, %get3A_67] : memref<8192x1xf32, #tpu.memory_space<vmem>>, vector<2048x1xf32>
    %add3A_69 = vector.broadcast %get3A_68 : vector<2048x1xf32> to vector<2048x2048xf32>
    %add3A_70 = arith.addf %dot_general3A_65, %add3A_69 : vector<2048x2048xf32>
    %reduce_min3A_71 = arith.constant dense<0x7F800000> : vector<2048xf32>
    %reduce_min3A_72 = vector.multi_reduction <minimumf>, %add3A_70, %reduce_min3A_71 [0] : vector<2048x2048xf32> to vector<2048xf32>
    %broadcast_in_dim3A_73 = vector.shape_cast %reduce_min3A_72 : vector<2048xf32> to vector<1x2048xf32>
    %argmin3A_74 = tpu.reduce_index %add3A_70 {axis = 0 : i32, kind = #tpu.reduction_kind<arg_min>} : vector<2048x2048xf32> -> vector<2048xi32>
    %convert_element_type3A_75 = arith.sitofp %argmin3A_74 : vector<2048xi32> to vector<2048xf32>
    %reshape3A_76 = vector.shape_cast %convert_element_type3A_75 : vector<2048xf32> to vector<1x2048xf32>
    %add3A_77 = arith.constant 6.144000e+03 : f32
    %add3A_78 = vector.broadcast %add3A_77 : f32 to vector<1x2048xf32>
    %add3A_79 = arith.addf %reshape3A_76, %add3A_78 : vector<1x2048xf32>
    %lt3A_80 = arith.cmpf olt, %broadcast_in_dim3A_73, %select_n3A_60 : vector<1x2048xf32>
    %select_n3A_81 = arith.select %lt3A_80, %add3A_79, %select_n3A_59 : vector<1x2048xi1>, vector<1x2048xf32>
    %convert_element_type3A_82 = arith.fptosi %select_n3A_81 : vector<1x2048xf32> to vector<1x2048xi32>
    %reshape3A_83 = vector.shape_cast %convert_element_type3A_82 : vector<1x2048xi32> to vector<1x1x2048xi32>
    %swap3A = arith.constant 0 : index
    %swap3A_84 = arith.constant 0 : index
    %swap3A_85 = arith.constant 0 : index
    %swap3A_86 = vector.load %arg3[%swap3A, %swap3A_84, %swap3A_85] : memref<1x1x2048xi32, #tpu.memory_space<vmem>>, vector<1x1x2048xi32>
    tpu.vector_store %arg3[%swap3A, %swap3A_84, %swap3A_85], %reshape3A_83 {strides = array<i32>} : memref<1x1x2048xi32, #tpu.memory_space<vmem>>, vector<1x1x2048xi32>,
    return
  }
  func.func @transform_0(%arg0: i32) -> (i32, i32) {
    %c0_i32 = arith.constant 0 : i32
    %c0_i32_0 = arith.constant 0 : i32
    return %arg0, %c0_i32 : i32, i32
  }
  func.func @transform_1(%arg0: i32) -> (i32, i32) {
    %c0_i32 = arith.constant 0 : i32
    %c0_i32_0 = arith.constant 0 : i32
    %c0_i32_1 = arith.constant 0 : i32
    return %c0_i32, %c0_i32_0 : i32, i32
  }
  func.func @transform_2(%arg0: i32) -> (i32, i32, i32) {
    %c0_i32 = arith.constant 0 : i32
    %c0_i32_0 = arith.constant 0 : i32
    %c0_i32_1 = arith.constant 0 : i32
    return %arg0, %c0_i32, %c0_i32_0 : i32, i32, i32
  }
}

</mosaic_0001>

<sc_bundles>
// kernel: kernel.4.cloned.1.call-start
scs
__scs_entry_jumppad:
0x0: {  	(pc) =	sbr.rel $0x88, $3  }
0x1: {  	(tag) =	ssettag $0x0;
	lr =	simm.s32 $0x1  }
0x2: {  	[smem:$0x3F9F] =	sst lr;
	_ =	strace $0xD0000000  }
0x3: {  	_ = 	snop  }
0x4: {  	_ = 	snop  }
0x5: {  	_ = 	snop  }
0x6: {  	_ = 	snop  }
0x7: {  	_ = 	snop  }
__scs_overlays_trampoline_lowered:
0x8: {  	[smem:$0x3FAE] =	sst s0  }
0x9: {  	[smem:$0x3FAF] =	sst s1  }
0xa: {  	[smem:$0x3FB0] =	sst s2  }
0xb: {  	[smem:$0x3FB1] =	sst s3  }
0xc: {  	[smem:$0x3FB2] =	sst s4  }
0xd: {  	[smem:$0x3FB3] =	sst s5  }
0xe: {  	[smem:$0x3FB4] =	sst s6  }
0xf: {  	[smem:$0x3FB5] =	sst s7  }
0x10: {  	[smem:$0x3FB6] =	sst s8  }
0x11: {  	[smem:$0x3FB7] =	sst s9;
	s0 =	simm.s32 @!p0 $0x0  }
0x12: {  	s1 =	sld [smem:$0x3F9D];
	s0 =	simm.s32 @p0 $0x1  }
0x13: {  	[smem:$0x3FB8] =	sst s0;
	s0 =	simm.s32 @!p1 $0x0  }
0x14: {  	s2 =	sld [smem:$0x3F9C];
	s0 =	simm.s32 @p1 $0x1  }
0x15: {  	[smem:$0x3FB9] =	sst s0;
	s0 =	simm.s32 @!p2 $0x0  }
0x16: {  	s3 =	sld [smem:$0x3FDB];
	s0 =	simm.s32 @p2 $0x1  }
0x17: {  	s4 =	simm.s32 $0x1BF5;
	[smem:$0x3FBB] =	sst s0  }
0x18: {  	s0 =	sld [smem:$0x3F9E];
	_ =	swait.ge [sflag:s4], $0x0  }
0x19: {  	s7 =	sld [smem:$0x3F9F]  }
0x1a: {  	s8 =	sadd.s32 $0xFFFFE003, lr  }
0x1b: {  	s9 =	sadd.s32 $0xFFFFFEF7, lr;
	s5 =	simm.s32 $0xFFFFFFFF;
	p2 =	slt.u32 s8, $0xFFFFF086  }
0x1c: {  	p1 =	slt.u32 s9, $0xF7A;
	s5 =	simm.s32 @!p2 $0x0  }
0x1d: {  	s5 =	simm.s32 @p1 $0x1;
	p0 =	seq.s32 s7, s2  }
0x1e: {  	s7 =	smul.u32 @!p0 $0xF7A, s2;
	p2 =	seq.s32 @!p0 s5, $0x0  }
0x1f: {  	s9 =	smul.u32 $0xF7A, s1;
	s8 =	simm.s32 @!p0 $0x1BF5;
	p2 =	por !p2, p0  }
0x20: {  	[sflag:s8] =	ssyncset.s32 @!p0 $0xFFFFF086;
	s6 =	sadd.s32 @!p0 s3, s7;
	s7 =	simm.s32 @!p0 $0x108  }
0x21: {  	s3 =	sadd.s32 s3, s9;
	s6 =	sadd.s32 @!p0 $0x88, s6;
	s7 =	simm.s32 @p2 $0x1082  }
0x22: {  	[simem:s7], [sflag:s8] =	dma.local @!p0 [hbm:s6], $0xF7A  }
0x23: {  	s9 =	sor.u32 $0xD0000000, s2;
	s6 =	simm.s32 $0x108;
	_ =	swait.ge @!p0 [sflag:s8], $0x0  }
0x24: {  	s3 =	sadd.s32 $0x88, s3;
	s6 =	simm.s32 @!p1 $0x1082;
	[sflag:s4] =	ssyncset.s32 $0xFFFFF086  }
0x25: {  	[simem:s6], [sflag:s4] =	dma.local [hbm:s3], $0xF7A  }
0x26: {  	[smem:$0x3F9F] =	sst s1;
	(tag) =	ssettag s2;
	_ =	strace s9  }
0x27: {  	s1 =	sld [smem:$0x3FAF]  }
0x28: {  	s2 =	sld [smem:$0x3FB0]  }
0x29: {  	s4 =	sld [smem:$0x3FB2]  }
0x2a: {  	p0 =	seq.s32 s5, $0x0;
	s5 =	sld [smem:$0x3FB3]  }
0x2b: {  	s6 =	sld [smem:$0x3FB4]  }
0x2c: {  	s7 =	sld [smem:$0x3FB5]  }
0x2d: {  	s3 =	simm.s32 $0x108;
	s8 =	sld [smem:$0x3FB6]  }
0x2e: {  	s3 =	simm.s32 @!p0 $0x1082;
	s9 =	sld [smem:$0x3FB7]  }
0x2f: {  	lr =	sadd.s32 s0, s3;
	s0 =	sld [smem:$0x3FAE]  }
0x30: {  	s3 =	sld [smem:$0x3FB1]  }
0x31: {  	[smem:$0x3FBA] =	sst s10  }
0x32: {  	s10 =	sld [smem:$0x3FB8];
	_ =	sdelay $0x3  }
0x33: {  	p0 =	seq.s32 s10, $0x1;
	s10 =	sld [smem:$0x3FBA];
	_ =	sdelay $0x3  }
0x34: {  	[smem:$0x3FBA] =	sst s10  }
0x35: {  	s10 =	sld [smem:$0x3FB9];
	_ =	sdelay $0x3  }
0x36: {  	p1 =	seq.s32 s10, $0x1;
	s10 =	sld [smem:$0x3FBA];
	_ =	sdelay $0x3  }
0x37: {  	[smem:$0x3FBA] =	sst s10  }
0x38: {  	s10 =	sld [smem:$0x3FBB]  }
0x39: {  	_ = 	snop;
	(pc) =	sbr.ind lr, $3  }
0x3a: {  	_ = 	snop  }
0x3b: {  	_ = 	snop  }
0x3c: {  	p2 =	seq.s32 s10, $0x1;
	s10 =	sld [smem:$0x3FBA]  }
0x3d: {  	_ =	shalt  }
0x3e: {  	_ =	shalt  }
0x3f: {  	_ =	shalt  }
0x40: {  	_ =	shalt  }
0x41: {  	_ =	shalt  }
0x42: {  	_ =	shalt  }
0x43: {  	_ =	shalt  }
0x44: {  	_ =	shalt  }
0x45: {  	_ =	shalt  }
0x46: {  	_ =	shalt  }
0x47: {  	_ =	shalt  }
0x48: {  	_ =	shalt  }
0x49: {  	_ =	shalt  }
0x4a: {  	_ =	shalt  }
0x4b: {  	_ =	shalt  }
0x4c: {  	_ =	shalt  }
0x4d: {  	_ =	shalt  }
0x4e: {  	_ =	shalt  }
0x4f: {  	_ =	shalt  }
0x50: {  	_ =	shalt  }
0x51: {  	_ =	shalt  }
0x52: {  	_ =	shalt  }
0x53: {  	_ =	shalt  }
0x54: {  	_ =	shalt  }
0x55: {  	_ =	shalt  }
0x56: {  	_ =	shalt  }
0x57: {  	_ =	shalt  }
0x58: {  	_ =	shalt  }
0x59: {  	_ =	shalt  }
0x5a: {  	_ =	shalt  }
0x5b: {  	_ =	shalt  }
0x5c: {  	_ =	shalt  }
0x5d: {  	_ =	shalt  }
0x5e: {  	_ =	shalt  }
0x5f: {  	_ =	shalt  }
0x60: {  	_ =	shalt  }
0x61: {  	_ =	shalt  }
0x62: {  	_ =	shalt  }
0x63: {  	_ =	shalt  }
0x64: {  	_ =	shalt  }
0x65: {  	_ =	shalt  }
0x66: {  	_ =	shalt  }
0x67: {  	_ =	shalt  }
0x68: {  	_ =	shalt  }
0x69: {  	_ =	shalt  }
0x6a: {  	_ =	shalt  }
0x6b: {  	_ =	shalt  }
0x6c: {  	_ =	shalt  }
0x6d: {  	_ =	shalt  }
0x6e: {  	_ =	shalt  }
0x6f: {  	_ =	shalt  }
0x70: {  	_ =	shalt  }
0x71: {  	_ =	shalt  }
0x72: {  	_ =	shalt  }
0x73: {  	_ =	shalt  }
0x74: {  	_ =	shalt  }
0x75: {  	_ =	shalt  }
0x76: {  	_ =	shalt  }
0x77: {  	_ =	shalt  }
0x78: {  	_ =	shalt  }
0x79: {  	_ =	shalt  }
0x7a: {  	_ =	shalt  }
0x7b: {  	_ =	shalt  }
0x7c: {  	_ =	shalt  }
0x7d: {  	_ =	shalt  }
0x7e: {  	_ =	shalt  }
0x7f: {  	_ =	shalt  }
0x80: {  	_ =	shalt  }
0x81: {  	_ =	shalt  }
0x82: {  	_ =	shalt  }
0x83: {  	_ =	shalt  }
0x84: {  	_ =	shalt  }
0x85: {  	_ =	shalt  }
0x86: {  	_ =	shalt  }
0x87: {  	_ =	shalt  }
.Lfunc_end0:
.L_simem_size_0:
called_computation_lowered:
.L_overlay_start_0:
0x88: {  	s2 =	sld [smem:$0x3FD9]  }
0x89: {  	s3 =	sld [smem:$0x3FFE];
	_ =	sdelay $0x1  }
0x8a: {  	s1 =	srdreg.scid  }
0x8b: {  	s0 =	sand.u32 $0x1, s1  }
0x8c: {  	s15 =	sshll.u32 s0, $0xA;
	s2 =	sadd.s32 s3, s2  }
0x8d: {  	s2 =	sadd.s32 s2, s15  }
0x8e: {  	[smem:$0x3FC6] =	sst s2  }
0x8f: {  	_ = 	snop  }
0x90: {  	s2 =	sld [smem:$0x3FD0];
	_ =	sdelay $0x2  }
0x91: {  	s4 =	simm.s32 $0xA;
	s5 =	simm.s32 $0x10;
	s16 =	sld [smem:$0x3FC8]  }
0x92: {  	[smem:s5], [sflag:s4] =	dma.local [hbm:s2], $0x1  }
0x93: {  	_ =	swait.eq [sflag:s4], $0x1  }
0x94: {  	[sflag:s4] =	ssyncset.done $0x0  }
0x95: {  	s17 =	sld [smem:$0x10];
	[sflag:s4] =	ssyncadd.s32 $0xFFFFFFFF  }
0x96: {  	s18 =	sld [smem:$0x12];
	(tm) =	ssettm $0x1  }
0x97: {  	s19 =	sld [smem:$0x3FFB];
	_ =	sdelay $0x3  }
0x98: {  	_ =	strace s19  }
0x99: {  	s5 =	sld [smem:$0x3FFC];
	_ =	sdelay $0x3  }
0x9a: {  	_ =	strace s5  }
0x9b: {  	s5 =	sld [smem:$0x3FFD];
	_ =	sdelay $0x3  }
0x9c: {  	_ =	strace s5  }
0x9d: {  	_ =	strace $0x8FFFFFFF  }
0x9e: {  	s20 =	sld [smem:$0x3FDB];
	_ =	sdelay $0x1  }
0x9f: {  	s6 =	simm.s32 $_scs_section_size  }
0xa0: {  	s7 =	simm.s32 $_size__tile_overlayer_lowered;
	s8 =	simm.s32 $_tile_overlayer_lowered  }
0xa1: {  	s23 =	simm.s32 $0x1BFF;
	s22 =	sshll.u32 s8, $0x1;
	s5 =	sadd.s32 s6, s20  }
0xa2: {  	s9 =	simm.s32 $0x0;
	s21 =	sshll.u32 s7, $0x1;
	s7 =	sadd.s32 s22, s5  }
0xa3: {  	[timem:s9], [sflag:s23] =	dma.local [hbm:s7], s21  }
0xa4: {  	_ =	swait.ge [sflag:s23], s21  }
0xa5: {  	s6 =	ssub.s32 $0x0, s21;
	[sflag:s23] =	ssyncset.done $0x0  }
0xa6: {  	[sflag:s23] =	ssyncadd.s32 s6;
	_ =	sdelay $0x1  }
0xa7: {  	s24 =	simm.s32 $0x1B8B  }
0xa8: {  	_ =	swait.ge [sflag:s24], $0x1  }
0xa9: {  	[sflag:s24] =	ssyncset.done $0x0  }
0xaa: {  	s25 =	simm.s32 $0x1B8E;
	[sflag:s24] =	ssyncadd.s32 $0xFFFFFFFF  }
0xab: {  	s26 =	simm.s32 $execute0_lowered;
	[smem:$0x3FD2] =	sst s25  }
0xac: {  	s6 =	sshll.u32 s26, $0x1;
	_ =	strace $0x80000046;
	[dreg:$0x1] =	wrdreg $0xFFFFFFFF  }
0xad: {  	s28 =	simm.s32 $_size_execute0_lowered;
	s5 =	sadd.s32 s5, s6;
	[dreg:$0x0] =	wrdreg $0x0  }
0xae: {  	s6 =	sshll.u32 s28, $0x1;
	[dreg:$0x2] =	wrdreg s5  }
0xaf: {  	[dreg:$0x3] =	wrdreg s6  }
0xb0: {  	[dreg:$0x4] =	wrdreg $0xC0  }
0xb1: {  	_ =	task [dreg:s9], $0x5FFFF  }
0xb2: {  	[dreg:$0x1] =	wrdreg $0xFFFFFFFF  }
0xb3: {  	[dreg:$0x0] =	wrdreg $0x60  }
0xb4: {  	[dreg:$0x2] =	wrdreg s18  }
0xb5: {  	[dreg:$0x3] =	wrdreg s16  }
0xb6: {  	[dreg:$0x4] =	wrdreg s17  }
0xb7: {  	[dreg:$0x5] =	wrdreg $0x9  }
0xb8: {  	_ =	task.clear_ibuf [dreg:s9], $0x6FFFF;
	_ =	strace $0x90000046  }
0xb9: {  	s29 =	simm.s32 $0x9;
	_ =	strace $0x80000048  }
0xba: {  	_ =	swait.ge [sflag:s29], $0x1  }
0xbb: {  	[sflag:s29] =	ssyncadd.s32 $0xFFFFFFFF  }
0xbc: {  	_ =	strace $0x90000048  }
0xbd: {  	_ =	sfence  }
0xbe: {  	s30 =	sld [smem:$0x0];
	_ =	sdelay $0x2  }
0xbf: {  	s31 =	sshll.u32 s1, $0xD;
	s1 =	sshrl.u32 s1, $0x2  }
0xc0: {  	s3 =	sand.u32 $0x4000, s31;
	s1 =	sadd.s32 s1, s30  }
0xc1: {  	s0 =	sor.u32 s3, s0;
	s1 =	sshll.u32 s1, $0x11  }
0xc2: {  	s0 =	sor.u32 s1, s0  }
0xc3: {  	s0 =	sadd.s32 $0x8F2B, s0  }
0xc4: {  	[sflag:s0] =	ssyncadd.remote.s32 $0x1  }
0xc5: {  	_ =	sfence.sel $0xFFFF  }
0xc6: {  	[dreg:$0x0] =	wrdreg $0xFFFFFFFF;
	(pc) =	sbr.abs _section_cstart, $3  }
0xc7: {  	[dreg:$0x1] =	wrdreg $0xFFFFFFFF  }
0xc8: {  	_ =	task.clear_ibuf [dreg:s9], $0x2FFFF;
	_ =	strace $0x9FFFFFFF  }
0xc9: {  	(tm) =	ssettm $0x7FFFFFFF  }
tec
execute0_lowered:
.L_overlay_start_1:
0x0: {  	(tag) =	ssettag $0x1  }
0x1: {  	s0 =	srdreg.scid;
	s1 =	rddreg [dreg:$0x0]  }
0x2: {  	s2 =	stileid.u32;
	s5 =	rddreg [dreg:$0x2]  }
0x3: {  	s28 =	simm.s32 $0x2280;
	s29 =	simm.s32 $0x2A80;
	s30 =	simm.s32 $0x3280  }
0x4: {  	s8 =	simm.s32 $0x5280;
	s9 =	simm.s32 $0x5A80;
	s31 =	simm.s32 $0x6280  }
0x5: {  	s10 =	simm.s32 $0x6A80;
	s11 =	simm.s32 $0x7280;
	s12 =	simm.s32 $0x7A80  }
0x6: {  	s13 =	simm.s32 $0x8280;
	s14 =	simm.s32 $0x8A80;
	s15 =	simm.s32 $0x9280  }
0x7: {  	s16 =	simm.s32 $0xAA80;
	s0 =	sand.u32 $0x1, s0;
	s3 =	sshll.u32 s2, $0x1  }
0x8: {  	s17 =	simm.s32 $0xBA80;
	s2 =	rddreg [dreg:$0x1];
	s4 =	sor.u32 s0, s3  }
0x9: {  	s3 =	simm.s32 $0x0;
	s0 =	ssub.s32 $0x2, s0;
	s6 =	smul.u32 $0x48, s4  }
0xa: {  	s7 =	smul.u32 $0x24000, s4;
	[smem:$0x7FF] =	sst s3;
	s24 =	sshrl.u32 s0, $0x1  }
0xb: {  	s4 =	smul.u32 $0x4800, s4;
	_ =	strace $0x80000047;
	s0 =	ssub.s32 s0, s24  }
0xc: {  	s24 =	simm.s32 $0xA80;
	s1 =	sadd.s32 s1, s6;
	s18 =	sshrl.u32 s7, $0x3  }
0xd: {  	s19 =	sadd.s32 s5, s4;
	[dreg:$0x4] =	wrdreg s1;
	s20 =	sadd.s32 s5, s18  }
0xe: {  	s4 =	smax.u32 s0, $0x1;
	[dreg:$0x5] =	wrdreg s19;
	s21 =	sadd.s32 $0xC00, s20  }
0xf: {  	s6 =	simm.s32 $0x3;
	s22 =	sadd.s32 $0x1800, s20;
	[dreg:$0x6] =	wrdreg s21  }
0x10: {  	s7 =	simm.s32 $0x4A80;
	s23 =	sadd.s32 $0x2400, s20;
	[dreg:$0x7] =	wrdreg s22  }
0x11: {  	s18 =	simm.s32 $0xB280;
	s25 =	sadd.s32 $0x3000, s20;
	[dreg:$0x8] =	wrdreg s23  }
0x12: {  	v2 =	vlaneseq.u32;
	s19 =	simm.s32 $0xC280;
	s26 =	sadd.s32 $0x3C00, s20;
	[dreg:$0x9] =	wrdreg s25  }
0x13: {  	vm0 =	vmmov $0xffff;
	v1 =	vshrl.u32 v2, $0x3;
	s20 =	simm.s32 $0x1;
	[dreg:$0xa] =	wrdreg s26;
	s22 =	simm.s32 $0x6  }
0x14: {  	v0 =	vand.u32 $0x7, v2;
	v2 =	vor.u32 $0x8, v2;
	v1 =	vmul.u32 $0x8, v1;
	s25 =	simm.s32 $0x1280;
	s26 =	simm.s32 $0x1A80;
	s21 =	simm.s32 $0x4  }
.LBB2_1:
0x15: {  	s23 =	rddreg [dreg:$0x4];
	s0 =	simm.s32 $0x7  }
0x16: {  	[tilespmem:s3], [sflag:$0x7] =	stream.linear.gather [hbm4b:s23+s3], $0x240, $0x38;
	[tilespmem:$0x12280] =	vst v63  }
0x17: {  	_ =	swait.ge [sflag:s0], $0x240  }
0x18: {  	[sflag:s0] =	ssyncset.done $0x0  }
0x19: {  	[sflag:s0] =	ssyncadd.s32 $0xFFFFFDC0  }
0x1a: {  	v3 =	vld [tilespmem:$0x0];
	_ =	sdelay $0x4  }
0x1b: {  	v4 =	vshll.u32 v3, $0x1  }
0x1c: {  	v3 =	vand.u32 $0x7, v3;
	v4 =	vand.u32 $0xFFFFFFF0, v4  }
0x1d: {  	v3 =	vor.u32 v3, v4  }
0x1e: {  	v4 =	vperm.xlane v3, v0;
	_ =	sdelay $0x1  }
0x1f: {  	v3 =	vperm.xlane v3, v2;
	v4 =	vadd.s32 v1, v4;
	_ =	sdelay $0x1  }
0x20: {  	v3 =	vadd.s32 v1, v3;
	_ =	sdelay $0x1  }
0x21: {  	s5 =	simm.s32 $0x280  }
0x22: {  	[tilespmem:s5], [sflag:$0x1] =	stream.indirect_vreg.gather [hbm4b:s2+s3], $0x80, v4, vm0, $0xb8;
	[tilespmem:$0x12280] =	vst v63  }
0x23: {  	_ = 	snop  }
0x24: {  	[tilespmem:s24], [sflag:$0x1] =	stream.indirect_vreg.gather [hbm4b:s2+s3], $0x80, v3, vm0, $0xb8;
	[tilespmem:$0x12280] =	vst v63  }
0x25: {  	v3 =	vld [tilespmem:$0x10];
	_ =	sdelay $0x4  }
0x26: {  	v29 =	vshll.u32 v3, $0x1  }
0x27: {  	v3 =	vand.u32 $0x7, v3;
	v4 =	vand.u32 $0xFFFFFFF0, v29  }
0x28: {  	v3 =	vor.u32 v3, v4  }
0x29: {  	v4 =	vperm.xlane v3, v0;
	_ =	sdelay $0x1  }
0x2a: {  	v3 =	vperm.xlane v3, v2;
	v4 =	vadd.s32 v1, v4;
	_ =	sdelay $0x1  }
0x2b: {  	v3 =	vadd.s32 v1, v3;
	_ =	sdelay $0x2  }
0x2c: {  	[tilespmem:s25], [sflag:$0x1] =	stream.indirect_vreg.gather [hbm4b:s2+s3], $0x80, v4, vm0, $0xb8;
	[tilespmem:$0x12280] =	vst v63  }
0x2d: {  	_ = 	snop  }
0x2e: {  	[tilespmem:s26], [sflag:$0x1] =	stream.indirect_vreg.gather [hbm4b:s2+s3], $0x80, v3, vm0, $0xb8;
	[tilespmem:$0x12280] =	vst v63  }
0x2f: {  	v3 =	vld [tilespmem:$0x20];
	_ =	sdelay $0x4  }
0x30: {  	v30 =	vshll.u32 v3, $0x1  }
0x31: {  	v3 =	vand.u32 $0x7, v3;
	v4 =	vand.u32 $0xFFFFFFF0, v30  }
0x32: {  	v3 =	vor.u32 v3, v4  }
0x33: {  	v4 =	vperm.xlane v3, v0;
	_ =	sdelay $0x1  }
0x34: {  	v3 =	vperm.xlane v3, v2;
	v4 =	vadd.s32 v1, v4;
	_ =	sdelay $0x1  }
0x35: {  	v3 =	vadd.s32 v1, v3;
	_ =	sdelay $0x2  }
0x36: {  	[tilespmem:s28], [sflag:$0x1] =	stream.indirect_vreg.gather [hbm4b:s2+s3], $0x80, v4, vm0, $0xb8;
	[tilespmem:$0x12280] =	vst v63  }
0x37: {  	_ = 	snop  }
0x38: {  	[tilespmem:s29], [sflag:$0x1] =	stream.indirect_vreg.gather [hbm4b:s2+s3], $0x80, v3, vm0, $0xb8;
	[tilespmem:$0x12280] =	vst v63  }
0x39: {  	v3 =	vld [tilespmem:$0x30];
	_ =	sdelay $0x4  }
0x3a: {  	v31 =	vshll.u32 v3, $0x1  }
0x3b: {  	v3 =	vand.u32 $0x7, v3;
	v4 =	vand.u32 $0xFFFFFFF0, v31  }
0x3c: {  	v3 =	vor.u32 v3, v4  }
0x3d: {  	v4 =	vperm.xlane v3, v0;
	_ =	sdelay $0x1  }
0x3e: {  	v3 =	vperm.xlane v3, v2;
	v4 =	vadd.s32 v1, v4;
	_ =	sdelay $0x1  }
0x3f: {  	v3 =	vadd.s32 v1, v3;
	_ =	sdelay $0x2  }
0x40: {  	[tilespmem:s30], [sflag:$0x1] =	stream.indirect_vreg.gather [hbm4b:s2+s3], $0x80, v4, vm0, $0xb8;
	[tilespmem:$0x12280] =	vst v63  }
0x41: {  	s1 =	simm.s32 $0x3A80  }
0x42: {  	[tilespmem:s1], [sflag:$0x1] =	stream.indirect_vreg.gather [hbm4b:s2+s3], $0x80, v3, vm0, $0xb8;
	[tilespmem:$0x12280] =	vst v63  }
0x43: {  	v3 =	vld [tilespmem:$0x40];
	_ =	sdelay $0x4  }
0x44: {  	v32 =	vshll.u32 v3, $0x1  }
0x45: {  	v3 =	vand.u32 $0x7, v3;
	v4 =	vand.u32 $0xFFFFFFF0, v32  }
0x46: {  	v3 =	vor.u32 v3, v4  }
0x47: {  	v4 =	vperm.xlane v3, v0;
	_ =	sdelay $0x1  }
0x48: {  	v3 =	vperm.xlane v3, v2;
	v4 =	vadd.s32 v1, v4;
	_ =	sdelay $0x1  }
0x49: {  	v3 =	vadd.s32 v1, v3;
	_ =	sdelay $0x1  }
0x4a: {  	s0 =	simm.s32 $0x4280  }
0x4b: {  	[tilespmem:s0], [sflag:$0x1] =	stream.indirect_vreg.gather [hbm4b:s2+s3], $0x80, v4, vm0, $0xb8;
	[tilespmem:$0x12280] =	vst v63  }
0x4c: {  	_ = 	snop  }
0x4d: {  	[tilespmem:s7], [sflag:$0x1] =	stream.indirect_vreg.gather [hbm4b:s2+s3], $0x80, v3, vm0, $0xb8;
	[tilespmem:$0x12280] =	vst v63  }
0x4e: {  	v3 =	vld [tilespmem:$0x50];
	_ =	sdelay $0x4  }
0x4f: {  	v33 =	vshll.u32 v3, $0x1  }
0x50: {  	v3 =	vand.u32 $0x7, v3;
	v4 =	vand.u32 $0xFFFFFFF0, v33  }
0x51: {  	v3 =	vor.u32 v3, v4  }
0x52: {  	v4 =	vperm.xlane v3, v0;
	_ =	sdelay $0x1  }
0x53: {  	v3 =	vperm.xlane v3, v2;
	v4 =	vadd.s32 v1, v4;
	_ =	sdelay $0x1  }
0x54: {  	v3 =	vadd.s32 v1, v3;
	_ =	sdelay $0x2  }
0x55: {  	[tilespmem:s8], [sflag:$0x1] =	stream.indirect_vreg.gather [hbm4b:s2+s3], $0x80, v4, vm0, $0xb8;
	[tilespmem:$0x12280] =	vst v63  }
0x56: {  	_ = 	snop  }
0x57: {  	[tilespmem:s9], [sflag:$0x1] =	stream.indirect_vreg.gather [hbm4b:s2+s3], $0x80, v3, vm0, $0xb8;
	[tilespmem:$0x12280] =	vst v63  }
0x58: {  	v3 =	vld [tilespmem:$0x60];
	_ =	sdelay $0x4  }
0x59: {  	v34 =	vshll.u32 v3, $0x1  }
0x5a: {  	v3 =	vand.u32 $0x7, v3;
	v4 =	vand.u32 $0xFFFFFFF0, v34  }
0x5b: {  	v3 =	vor.u32 v3, v4  }
0x5c: {  	v4 =	vperm.xlane v3, v0;
	_ =	sdelay $0x1  }
0x5d: {  	v3 =	vperm.xlane v3, v2;
	v4 =	vadd.s32 v1, v4;
	_ =	sdelay $0x1  }
0x5e: {  	v3 =	vadd.s32 v1, v3;
	_ =	sdelay $0x2  }
0x5f: {  	[tilespmem:s31], [sflag:$0x2] =	stream.indirect_vreg.gather [hbm4b:s2+s3], $0x80, v4, vm0, $0xb8;
	[tilespmem:$0x12280] =	vst v63  }
0x60: {  	_ = 	snop  }
0x61: {  	[tilespmem:s10], [sflag:$0x2] =	stream.indirect_vreg.gather [hbm4b:s2+s3], $0x80, v3, vm0, $0xb8;
	[tilespmem:$0x12280] =	vst v63  }
0x62: {  	v3 =	vld [tilespmem:$0x70];
	_ =	sdelay $0x4  }
0x63: {  	v35 =	vshll.u32 v3, $0x1  }
0x64: {  	v3 =	vand.u32 $0x7, v3;
	v4 =	vand.u32 $0xFFFFFFF0, v35  }
0x65: {  	v3 =	vor.u32 v3, v4  }
0x66: {  	v4 =	vperm.xlane v3, v0;
	_ =	sdelay $0x1  }
0x67: {  	v3 =	vperm.xlane v3, v2;
	v4 =	vadd.s32 v1, v4;
	_ =	sdelay $0x1  }
0x68: {  	v3 =	vadd.s32 v1, v3;
	_ =	sdelay $0x2  }
0x69: {  	[tilespmem:s11], [sflag:$0x2] =	stream.indirect_vreg.gather [hbm4b:s2+s3], $0x80, v4, vm0, $0xb8;
	[tilespmem:$0x12280] =	vst v63  }
0x6a: {  	_ = 	snop  }
0x6b: {  	[tilespmem:s12], [sflag:$0x2] =	stream.indirect_vreg.gather [hbm4b:s2+s3], $0x80, v3, vm0, $0xb8;
	[tilespmem:$0x12280] =	vst v63  }
0x6c: {  	v3 =	vld [tilespmem:$0x80];
	_ =	sdelay $0x4  }
0x6d: {  	v36 =	vshll.u32 v3, $0x1  }
0x6e: {  	v3 =	vand.u32 $0x7, v3;
	v4 =	vand.u32 $0xFFFFFFF0, v36  }
0x6f: {  	v3 =	vor.u32 v3, v4  }
0x70: {  	v4 =	vperm.xlane v3, v0;
	_ =	sdelay $0x1  }
0x71: {  	v3 =	vperm.xlane v3, v2;
	v4 =	vadd.s32 v1, v4;
	_ =	sdelay $0x1  }
0x72: {  	v3 =	vadd.s32 v1, v3;
	_ =	sdelay $0x2  }
0x73: {  	[tilespmem:s13], [sflag:$0x2] =	stream.indirect_vreg.gather [hbm4b:s2+s3], $0x80, v4, vm0, $0xb8;
	[tilespmem:$0x12280] =	vst v63  }
0x74: {  	_ = 	snop  }
0x75: {  	[tilespmem:s14], [sflag:$0x2] =	stream.indirect_vreg.gather [hbm4b:s2+s3], $0x80, v3, vm0, $0xb8;
	[tilespmem:$0x12280] =	vst v63  }
0x76: {  	v3 =	vld [tilespmem:$0x90];
	_ =	sdelay $0x4  }
0x77: {  	v37 =	vshll.u32 v3, $0x1  }
0x78: {  	v3 =	vand.u32 $0x7, v3;
	v4 =	vand.u32 $0xFFFFFFF0, v37  }
0x79: {  	v3 =	vor.u32 v3, v4  }
0x7a: {  	v4 =	vperm.xlane v3, v0;
	_ =	sdelay $0x1  }
0x7b: {  	v3 =	vperm.xlane v3, v2;
	v4 =	vadd.s32 v1, v4;
	_ =	sdelay $0x1  }
0x7c: {  	v3 =	vadd.s32 v1, v3;
	_ =	sdelay $0x2  }
0x7d: {  	[tilespmem:s15], [sflag:$0x2] =	stream.indirect_vreg.gather [hbm4b:s2+s3], $0x80, v4, vm0, $0xb8;
	[tilespmem:$0x12280] =	vst v63  }
0x7e: {  	s5 =	simm.s32 $0x9A80  }
0x7f: {  	[tilespmem:s5], [sflag:$0x2] =	stream.indirect_vreg.gather [hbm4b:s2+s3], $0x80, v3, vm0, $0xb8;
	[tilespmem:$0x12280] =	vst v63  }
0x80: {  	v3 =	vld [tilespmem:$0xA0];
	_ =	sdelay $0x4  }
0x81: {  	v38 =	vshll.u32 v3, $0x1  }
0x82: {  	v3 =	vand.u32 $0x7, v3;
	v4 =	vand.u32 $0xFFFFFFF0, v38  }
0x83: {  	v3 =	vor.u32 v3, v4  }
0x84: {  	v4 =	vperm.xlane v3, v0;
	_ =	sdelay $0x1  }
0x85: {  	v3 =	vperm.xlane v3, v2;
	v4 =	vadd.s32 v1, v4;
	_ =	sdelay $0x1  }
0x86: {  	v3 =	vadd.s32 v1, v3;
	_ =	sdelay $0x1  }
0x87: {  	s23 =	simm.s32 $0xA280  }
0x88: {  	[tilespmem:s23], [sflag:$0x2] =	stream.indirect_vreg.gather [hbm4b:s2+s3], $0x80, v4, vm0, $0xb8;
	[tilespmem:$0x12280] =	vst v63  }
0x89: {  	_ = 	snop  }
0x8a: {  	[tilespmem:s16], [sflag:$0x2] =	stream.indirect_vreg.gather [hbm4b:s2+s3], $0x80, v3, vm0, $0xb8;
	[tilespmem:$0x12280] =	vst v63  }
0x8b: {  	v3 =	vld [tilespmem:$0xB0];
	_ =	sdelay $0x4  }
0x8c: {  	v39 =	vshll.u32 v3, $0x1  }
0x8d: {  	v3 =	vand.u32 $0x7, v3;
	v4 =	vand.u32 $0xFFFFFFF0, v39  }
0x8e: {  	v3 =	vor.u32 v3, v4  }
0x8f: {  	v4 =	vperm.xlane v3, v0;
	_ =	sdelay $0x1  }
0x90: {  	v3 =	vperm.xlane v3, v2;
	v4 =	vadd.s32 v1, v4;
	_ =	sdelay $0x1  }
0x91: {  	v3 =	vadd.s32 v1, v3;
	_ =	sdelay $0x2  }
0x92: {  	[tilespmem:s18], [sflag:$0x2] =	stream.indirect_vreg.gather [hbm4b:s2+s3], $0x80, v4, vm0, $0xb8;
	[tilespmem:$0x12280] =	vst v63  }
0x93: {  	_ = 	snop  }
0x94: {  	[tilespmem:s17], [sflag:$0x2] =	stream.indirect_vreg.gather [hbm4b:s2+s3], $0x80, v3, vm0, $0xb8;
	[tilespmem:$0x12280] =	vst v63  }
0x95: {  	v3 =	vld [tilespmem:$0xC0];
	_ =	sdelay $0x4  }
0x96: {  	v40 =	vshll.u32 v3, $0x1  }
0x97: {  	v3 =	vand.u32 $0x7, v3;
	v4 =	vand.u32 $0xFFFFFFF0, v40  }
0x98: {  	v3 =	vor.u32 v3, v4  }
0x99: {  	v4 =	vperm.xlane v3, v0;
	_ =	sdelay $0x1  }
0x9a: {  	v3 =	vperm.xlane v3, v2;
	v4 =	vadd.s32 v1, v4;
	_ =	sdelay $0x1  }
0x9b: {  	v3 =	vadd.s32 v1, v3;
	_ =	sdelay $0x2  }
0x9c: {  	[tilespmem:s19], [sflag:$0x3] =	stream.indirect_vreg.gather [hbm4b:s2+s3], $0x80, v4, vm0, $0xb8;
	[tilespmem:$0x12280] =	vst v63  }
0x9d: {  	s23 =	simm.s32 $0xCA80  }
0x9e: {  	[tilespmem:s23], [sflag:$0x3] =	stream.indirect_vreg.gather [hbm4b:s2+s3], $0x80, v3, vm0, $0xb8;
	[tilespmem:$0x12280] =	vst v63  }
0x9f: {  	v3 =	vld [tilespmem:$0xD0];
	_ =	sdelay $0x4  }
0xa0: {  	v41 =	vshll.u32 v3, $0x1  }
0xa1: {  	v3 =	vand.u32 $0x7, v3;
	v4 =	vand.u32 $0xFFFFFFF0, v41  }
0xa2: {  	v3 =	vor.u32 v3, v4  }
0xa3: {  	v4 =	vperm.xlane v3, v0;
	_ =	sdelay $0x1  }
0xa4: {  	v3 =	vperm.xlane v3, v2;
	v4 =	vadd.s32 v1, v4;
	_ =	sdelay $0x1  }
0xa5: {  	v3 =	vadd.s32 v1, v3;
	_ =	sdelay $0x1  }
0xa6: {  	s23 =	simm.s32 $0xD280  }
0xa7: {  	[tilespmem:s23], [sflag:$0x3] =	stream.indirect_vreg.gather [hbm4b:s2+s3], $0x80, v4, vm0, $0xb8;
	[tilespmem:$0x12280] =	vst v63  }
0xa8: {  	s23 =	simm.s32 $0xDA80  }
0xa9: {  	[tilespmem:s23], [sflag:$0x3] =	stream.indirect_vreg.gather [hbm4b:s2+s3], $0x80, v3, vm0, $0xb8;
	[tilespmem:$0x12280] =	vst v63  }
0xaa: {  	v3 =	vld [tilespmem:$0xE0];
	_ =	sdelay $0x4  }
0xab: {  	v42 =	vshll.u32 v3, $0x1  }
0xac: {  	v3 =	vand.u32 $0x7, v3;
	v4 =	vand.u32 $0xFFFFFFF0, v42  }
0xad: {  	v3 =	vor.u32 v3, v4  }
0xae: {  	v4 =	vperm.xlane v3, v0;
	_ =	sdelay $0x1  }
0xaf: {  	v3 =	vperm.xlane v3, v2;
	v4 =	vadd.s32 v1, v4;
	_ =	sdelay $0x1  }
0xb0: {  	v3 =	vadd.s32 v1, v3;
	_ =	sdelay $0x1  }
0xb1: {  	s23 =	simm.s32 $0xE280  }
0xb2: {  	[tilespmem:s23], [sflag:$0x3] =	stream.indirect_vreg.gather [hbm4b:s2+s3], $0x80, v4, vm0, $0xb8;
	[tilespmem:$0x12280] =	vst v63  }
0xb3: {  	s23 =	simm.s32 $0xEA80  }
0xb4: {  	[tilespmem:s23], [sflag:$0x3] =	stream.indirect_vreg.gather [hbm4b:s2+s3], $0x80, v3, vm0, $0xb8;
	[tilespmem:$0x12280] =	vst v63  }
0xb5: {  	v3 =	vld [tilespmem:$0xF0];
	_ =	sdelay $0x4  }
0xb6: {  	v43 =	vshll.u32 v3, $0x1  }
0xb7: {  	v3 =	vand.u32 $0x7, v3;
	v4 =	vand.u32 $0xFFFFFFF0, v43  }
0xb8: {  	v3 =	vor.u32 v3, v4  }
0xb9: {  	v4 =	vperm.xlane v3, v0;
	_ =	sdelay $0x1  }
0xba: {  	v3 =	vperm.xlane v3, v2;
	v4 =	vadd.s32 v1, v4;
	_ =	sdelay $0x1  }
0xbb: {  	v3 =	vadd.s32 v1, v3;
	_ =	sdelay $0x1  }
0xbc: {  	s23 =	simm.s32 $0xF280  }
0xbd: {  	[tilespmem:s23], [sflag:$0x3] =	stream.indirect_vreg.gather [hbm4b:s2+s3], $0x80, v4, vm0, $0xb8;
	[tilespmem:$0x12280] =	vst v63  }
0xbe: {  	s23 =	simm.s32 $0xFA80  }
0xbf: {  	[tilespmem:s23], [sflag:$0x3] =	stream.indirect_vreg.gather [hbm4b:s2+s3], $0x80, v3, vm0, $0xb8;
	[tilespmem:$0x12280] =	vst v63  }
0xc0: {  	v3 =	vld [tilespmem:$0x100];
	_ =	sdelay $0x4  }
0xc1: {  	v44 =	vshll.u32 v3, $0x1  }
0xc2: {  	v3 =	vand.u32 $0x7, v3;
	v4 =	vand.u32 $0xFFFFFFF0, v44  }
0xc3: {  	v3 =	vor.u32 v3, v4  }
0xc4: {  	v4 =	vperm.xlane v3, v0;
	_ =	sdelay $0x1  }
0xc5: {  	v3 =	vperm.xlane v3, v2;
	v4 =	vadd.s32 v1, v4;
	_ =	sdelay $0x1  }
0xc6: {  	v3 =	vadd.s32 v1, v3;
	_ =	sdelay $0x1  }
0xc7: {  	s23 =	simm.s32 $0x10280  }
0xc8: {  	[tilespmem:s23], [sflag:$0x3] =	stream.indirect_vreg.gather [hbm4b:s2+s3], $0x80, v4, vm0, $0xb8;
	[tilespmem:$0x12280] =	vst v63  }
0xc9: {  	s23 =	simm.s32 $0x10A80  }
0xca: {  	[tilespmem:s23], [sflag:$0x3] =	stream.indirect_vreg.gather [hbm4b:s2+s3], $0x80, v3, vm0, $0xb8;
	[tilespmem:$0x12280] =	vst v63  }
0xcb: {  	v3 =	vld [tilespmem:$0x110];
	_ =	sdelay $0x4  }
0xcc: {  	v45 =	vshll.u32 v3, $0x1  }
0xcd: {  	v3 =	vand.u32 $0x7, v3;
	v4 =	vand.u32 $0xFFFFFFF0, v45  }
0xce: {  	v3 =	vor.u32 v3, v4  }
0xcf: {  	v4 =	vperm.xlane v3, v0;
	_ =	sdelay $0x1  }
0xd0: {  	v3 =	vperm.xlane v3, v2;
	v4 =	vadd.s32 v1, v4;
	_ =	sdelay $0x1  }
0xd1: {  	v3 =	vadd.s32 v1, v3;
	_ =	sdelay $0x1  }
0xd2: {  	s23 =	simm.s32 $0x11280  }
0xd3: {  	[tilespmem:s23], [sflag:$0x3] =	stream.indirect_vreg.gather [hbm4b:s2+s3], $0x80, v4, vm0, $0xb8;
	[tilespmem:$0x12280] =	vst v63  }
0xd4: {  	s23 =	simm.s32 $0x11A80  }
0xd5: {  	[tilespmem:s23], [sflag:$0x3] =	stream.indirect_vreg.gather [hbm4b:s2+s3], $0x80, v3, vm0, $0xb8;
	[tilespmem:$0x12280] =	vst v63  }
0xd6: {  	_ =	swait.ge [sflag:s20], $0x6000  }
0xd7: {  	[sflag:s20] =	ssyncset.done $0x0  }
0xd8: {  	s5 =	simm.s32 $0x280;
	s23 =	rddreg [dreg:$0x5];
	[sflag:s20] =	ssyncadd.s32 $0xFFFFA000  }
0xd9: {  	[hbm4b:s23+s3] =	stream.linear.scatter [tilespmem:s5], [sflag:$0x4], $0x6000, $0x38;
	[tilespmem:$0x12280] =	vst v63  }
0xda: {  	_ =	swait.ge [sflag:s21], $0x6000  }
0xdb: {  	[sflag:s21] =	ssyncset.done $0x0  }
0xdc: {  	[sflag:s21] =	ssyncadd.s32 $0xFFFFA000  }
0xdd: {  	v3 =	vld [tilespmem:$0x120];
	_ =	sdelay $0x4  }
0xde: {  	v46 =	vshll.u32 v3, $0x1  }
0xdf: {  	v3 =	vand.u32 $0x7, v3;
	v4 =	vand.u32 $0xFFFFFFF0, v46  }
0xe0: {  	v3 =	vor.u32 v3, v4  }
0xe1: {  	v4 =	vperm.xlane v3, v0;
	_ =	sdelay $0x1  }
0xe2: {  	v3 =	vperm.xlane v3, v2;
	v4 =	vadd.s32 v1, v4;
	_ =	sdelay $0x1  }
0xe3: {  	v3 =	vadd.s32 v1, v3;
	_ =	sdelay $0x2  }
0xe4: {  	[tilespmem:s5], [sflag:$0x1] =	stream.indirect_vreg.gather [hbm4b:s2+s3], $0x80, v4, vm0, $0xb8;
	[tilespmem:$0x12280] =	vst v63  }
0xe5: {  	_ = 	snop  }
0xe6: {  	[tilespmem:s24], [sflag:$0x1] =	stream.indirect_vreg.gather [hbm4b:s2+s3], $0x80, v3, vm0, $0xb8;
	[tilespmem:$0x12280] =	vst v63  }
0xe7: {  	v3 =	vld [tilespmem:$0x130];
	_ =	sdelay $0x4  }
0xe8: {  	v47 =	vshll.u32 v3, $0x1  }
0xe9: {  	v3 =	vand.u32 $0x7, v3;
	v4 =	vand.u32 $0xFFFFFFF0, v47  }
0xea: {  	v3 =	vor.u32 v3, v4  }
0xeb: {  	v4 =	vperm.xlane v3, v0;
	_ =	sdelay $0x1  }
0xec: {  	v3 =	vperm.xlane v3, v2;
	v4 =	vadd.s32 v1, v4;
	_ =	sdelay $0x1  }
0xed: {  	v3 =	vadd.s32 v1, v3;
	_ =	sdelay $0x2  }
0xee: {  	[tilespmem:s25], [sflag:$0x1] =	stream.indirect_vreg.gather [hbm4b:s2+s3], $0x80, v4, vm0, $0xb8;
	[tilespmem:$0x12280] =	vst v63  }
0xef: {  	_ = 	snop  }
0xf0: {  	[tilespmem:s26], [sflag:$0x1] =	stream.indirect_vreg.gather [hbm4b:s2+s3], $0x80, v3, vm0, $0xb8;
	[tilespmem:$0x12280] =	vst v63  }
0xf1: {  	v3 =	vld [tilespmem:$0x140];
	_ =	sdelay $0x4  }
0xf2: {  	v48 =	vshll.u32 v3, $0x1  }
0xf3: {  	v3 =	vand.u32 $0x7, v3;
	v4 =	vand.u32 $0xFFFFFFF0, v48  }
0xf4: {  	v3 =	vor.u32 v3, v4  }
0xf5: {  	v4 =	vperm.xlane v3, v0;
	_ =	sdelay $0x1  }
0xf6: {  	v3 =	vperm.xlane v3, v2;
	v4 =	vadd.s32 v1, v4;
	_ =	sdelay $0x1  }
0xf7: {  	v3 =	vadd.s32 v1, v3;
	_ =	sdelay $0x2  }
0xf8: {  	[tilespmem:s28], [sflag:$0x1] =	stream.indirect_vreg.gather [hbm4b:s2+s3], $0x80, v4, vm0, $0xb8;
	[tilespmem:$0x12280] =	vst v63  }
0xf9: {  	_ = 	snop  }
0xfa: {  	[tilespmem:s29], [sflag:$0x1] =	stream.indirect_vreg.gather [hbm4b:s2+s3], $0x80, v3, vm0, $0xb8;
	[tilespmem:$0x12280] =	vst v63  }
0xfb: {  	v3 =	vld [tilespmem:$0x150];
	_ =	sdelay $0x4  }
0xfc: {  	v49 =	vshll.u32 v3, $0x1  }
0xfd: {  	v3 =	vand.u32 $0x7, v3;
	v4 =	vand.u32 $0xFFFFFFF0, v49  }
0xfe: {  	v3 =	vor.u32 v3, v4  }
0xff: {  	v4 =	vperm.xlane v3, v0;
	_ =	sdelay $0x1  }
0x100: {  	v3 =	vperm.xlane v3, v2;
	v4 =	vadd.s32 v1, v4;
	_ =	sdelay $0x1  }
0x101: {  	v3 =	vadd.s32 v1, v3;
	_ =	sdelay $0x2  }
0x102: {  	[tilespmem:s30], [sflag:$0x1] =	stream.indirect_vreg.gather [hbm4b:s2+s3], $0x80, v4, vm0, $0xb8;
	[tilespmem:$0x12280] =	vst v63  }
0x103: {  	_ = 	snop  }
0x104: {  	[tilespmem:s1], [sflag:$0x1] =	stream.indirect_vreg.gather [hbm4b:s2+s3], $0x80, v3, vm0, $0xb8;
	[tilespmem:$0x12280] =	vst v63  }
0x105: {  	v3 =	vld [tilespmem:$0x160];
	_ =	sdelay $0x4  }
0x106: {  	v50 =	vshll.u32 v3, $0x1  }
0x107: {  	v3 =	vand.u32 $0x7, v3;
	v4 =	vand.u32 $0xFFFFFFF0, v50  }
0x108: {  	v3 =	vor.u32 v3, v4  }
0x109: {  	v4 =	vperm.xlane v3, v0;
	_ =	sdelay $0x1  }
0x10a: {  	v3 =	vperm.xlane v3, v2;
	v4 =	vadd.s32 v1, v4;
	_ =	sdelay $0x1  }
0x10b: {  	v3 =	vadd.s32 v1, v3;
	_ =	sdelay $0x2  }
0x10c: {  	[tilespmem:s0], [sflag:$0x1] =	stream.indirect_vreg.gather [hbm4b:s2+s3], $0x80, v4, vm0, $0xb8;
	[tilespmem:$0x12280] =	vst v63  }
0x10d: {  	_ = 	snop  }
0x10e: {  	[tilespmem:s7], [sflag:$0x1] =	stream.indirect_vreg.gather [hbm4b:s2+s3], $0x80, v3, vm0, $0xb8;
	[tilespmem:$0x12280] =	vst v63  }
0x10f: {  	v3 =	vld [tilespmem:$0x170];
	_ =	sdelay $0x4  }
0x110: {  	v51 =	vshll.u32 v3, $0x1  }
0x111: {  	v3 =	vand.u32 $0x7, v3;
	v4 =	vand.u32 $0xFFFFFFF0, v51  }
0x112: {  	v3 =	vor.u32 v3, v4  }
0x113: {  	v4 =	vperm.xlane v3, v0;
	_ =	sdelay $0x1  }
0x114: {  	v3 =	vperm.xlane v3, v2;
	v4 =	vadd.s32 v1, v4;
	_ =	sdelay $0x1  }
0x115: {  	v3 =	vadd.s32 v1, v3;
	_ =	sdelay $0x2  }
0x116: {  	[tilespmem:s8], [sflag:$0x1] =	stream.indirect_vreg.gather [hbm4b:s2+s3], $0x80, v4, vm0, $0xb8;
	[tilespmem:$0x12280] =	vst v63  }
0x117: {  	s0 =	simm.s32 $0x2  }
0x118: {  	[tilespmem:s9], [sflag:$0x1] =	stream.indirect_vreg.gather [hbm4b:s2+s3], $0x80, v3, vm0, $0xb8;
	[tilespmem:$0x12280] =	vst v63  }
0x119: {  	_ =	swait.ge [sflag:s0], $0x6000  }
0x11a: {  	[sflag:s0] =	ssyncset.done $0x0  }
0x11b: {  	s1 =	simm.s32 $0x5;
	s5 =	rddreg [dreg:$0x6];
	[sflag:s0] =	ssyncadd.s32 $0xFFFFA000  }
0x11c: {  	[hbm4b:s5+s3] =	stream.linear.scatter [tilespmem:s31], [sflag:$0x5], $0x6000, $0x38;
	[tilespmem:$0x12280] =	vst v63  }
0x11d: {  	_ =	swait.ge [sflag:s1], $0x6000  }
0x11e: {  	[sflag:s1] =	ssyncset.done $0x0  }
0x11f: {  	[sflag:s1] =	ssyncadd.s32 $0xFFFFA000  }
0x120: {  	v3 =	vld [tilespmem:$0x180];
	_ =	sdelay $0x4  }
0x121: {  	v52 =	vshll.u32 v3, $0x1  }
0x122: {  	v3 =	vand.u32 $0x7, v3;
	v4 =	vand.u32 $0xFFFFFFF0, v52  }
0x123: {  	v3 =	vor.u32 v3, v4  }
0x124: {  	v4 =	vperm.xlane v3, v0;
	_ =	sdelay $0x1  }
0x125: {  	v3 =	vperm.xlane v3, v2;
	v4 =	vadd.s32 v1, v4;
	_ =	sdelay $0x1  }
0x126: {  	v3 =	vadd.s32 v1, v3;
	_ =	sdelay $0x2  }
0x127: {  	[tilespmem:s31], [sflag:$0x2] =	stream.indirect_vreg.gather [hbm4b:s2+s3], $0x80, v4, vm0, $0xb8;
	[tilespmem:$0x12280] =	vst v63  }
0x128: {  	_ = 	snop  }
0x129: {  	[tilespmem:s10], [sflag:$0x2] =	stream.indirect_vreg.gather [hbm4b:s2+s3], $0x80, v3, vm0, $0xb8;
	[tilespmem:$0x12280] =	vst v63  }
0x12a: {  	v3 =	vld [tilespmem:$0x190];
	_ =	sdelay $0x4  }
0x12b: {  	v53 =	vshll.u32 v3, $0x1  }
0x12c: {  	v3 =	vand.u32 $0x7, v3;
	v4 =	vand.u32 $0xFFFFFFF0, v53  }
0x12d: {  	v3 =	vor.u32 v3, v4  }
0x12e: {  	v4 =	vperm.xlane v3, v0;
	_ =	sdelay $0x1  }
0x12f: {  	v3 =	vperm.xlane v3, v2;
	v4 =	vadd.s32 v1, v4;
	_ =	sdelay $0x1  }
0x130: {  	v3 =	vadd.s32 v1, v3;
	_ =	sdelay $0x2  }
0x131: {  	[tilespmem:s11], [sflag:$0x2] =	stream.indirect_vreg.gather [hbm4b:s2+s3], $0x80, v4, vm0, $0xb8;
	[tilespmem:$0x12280] =	vst v63  }
0x132: {  	_ = 	snop  }
0x133: {  	[tilespmem:s12], [sflag:$0x2] =	stream.indirect_vreg.gather [hbm4b:s2+s3], $0x80, v3, vm0, $0xb8;
	[tilespmem:$0x12280] =	vst v63  }
0x134: {  	v3 =	vld [tilespmem:$0x1A0];
	_ =	sdelay $0x4  }
0x135: {  	v54 =	vshll.u32 v3, $0x1  }
0x136: {  	v3 =	vand.u32 $0x7, v3;
	v4 =	vand.u32 $0xFFFFFFF0, v54  }
0x137: {  	v3 =	vor.u32 v3, v4  }
0x138: {  	v4 =	vperm.xlane v3, v0;
	_ =	sdelay $0x1  }
0x139: {  	v3 =	vperm.xlane v3, v2;
	v4 =	vadd.s32 v1, v4;
	_ =	sdelay $0x1  }
0x13a: {  	v3 =	vadd.s32 v1, v3;
	_ =	sdelay $0x2  }
0x13b: {  	[tilespmem:s13], [sflag:$0x2] =	stream.indirect_vreg.gather [hbm4b:s2+s3], $0x80, v4, vm0, $0xb8;
	[tilespmem:$0x12280] =	vst v63  }
0x13c: {  	_ = 	snop  }
0x13d: {  	[tilespmem:s14], [sflag:$0x2] =	stream.indirect_vreg.gather [hbm4b:s2+s3], $0x80, v3, vm0, $0xb8;
	[tilespmem:$0x12280] =	vst v63  }
0x13e: {  	v3 =	vld [tilespmem:$0x1B0];
	_ =	sdelay $0x4  }
0x13f: {  	v55 =	vshll.u32 v3, $0x1  }
0x140: {  	v3 =	vand.u32 $0x7, v3;
	v4 =	vand.u32 $0xFFFFFFF0, v55  }
0x141: {  	v3 =	vor.u32 v3, v4  }
0x142: {  	v4 =	vperm.xlane v3, v0;
	_ =	sdelay $0x1  }
0x143: {  	v3 =	vperm.xlane v3, v2;
	v4 =	vadd.s32 v1, v4;
	_ =	sdelay $0x1  }
0x144: {  	v3 =	vadd.s32 v1, v3;
	_ =	sdelay $0x2  }
0x145: {  	[tilespmem:s15], [sflag:$0x2] =	stream.indirect_vreg.gather [hbm4b:s2+s3], $0x80, v4, vm0, $0xb8;
	[tilespmem:$0x12280] =	vst v63  }
0x146: {  	s23 =	simm.s32 $0x9A80  }
0x147: {  	[tilespmem:s23], [sflag:$0x2] =	stream.indirect_vreg.gather [hbm4b:s2+s3], $0x80, v3, vm0, $0xb8;
	[tilespmem:$0x12280] =	vst v63  }
0x148: {  	v3 =	vld [tilespmem:$0x1C0];
	_ =	sdelay $0x4  }
0x149: {  	v56 =	vshll.u32 v3, $0x1  }
0x14a: {  	v3 =	vand.u32 $0x7, v3;
	v4 =	vand.u32 $0xFFFFFFF0, v56  }
0x14b: {  	v3 =	vor.u32 v3, v4  }
0x14c: {  	v4 =	vperm.xlane v3, v0;
	_ =	sdelay $0x1  }
0x14d: {  	v3 =	vperm.xlane v3, v2;
	v4 =	vadd.s32 v1, v4;
	_ =	sdelay $0x1  }
0x14e: {  	v3 =	vadd.s32 v1, v3;
	_ =	sdelay $0x1  }
0x14f: {  	s23 =	simm.s32 $0xA280  }
0x150: {  	[tilespmem:s23], [sflag:$0x2] =	stream.indirect_vreg.gather [hbm4b:s2+s3], $0x80, v4, vm0, $0xb8;
	[tilespmem:$0x12280] =	vst v63  }
0x151: {  	_ = 	snop  }
0x152: {  	[tilespmem:s16], [sflag:$0x2] =	stream.indirect_vreg.gather [hbm4b:s2+s3], $0x80, v3, vm0, $0xb8;
	[tilespmem:$0x12280] =	vst v63  }
0x153: {  	v3 =	vld [tilespmem:$0x1D0];
	_ =	sdelay $0x4  }
0x154: {  	v57 =	vshll.u32 v3, $0x1  }
0x155: {  	v3 =	vand.u32 $0x7, v3;
	v4 =	vand.u32 $0xFFFFFFF0, v57  }
0x156: {  	v3 =	vor.u32 v3, v4  }
0x157: {  	v4 =	vperm.xlane v3, v0;
	_ =	sdelay $0x1  }
0x158: {  	v3 =	vperm.xlane v3, v2;
	v4 =	vadd.s32 v1, v4;
	_ =	sdelay $0x1  }
0x159: {  	v3 =	vadd.s32 v1, v3;
	_ =	sdelay $0x2  }
0x15a: {  	[tilespmem:s18], [sflag:$0x2] =	stream.indirect_vreg.gather [hbm4b:s2+s3], $0x80, v4, vm0, $0xb8;
	[tilespmem:$0x12280] =	vst v63  }
0x15b: {  	_ = 	snop  }
0x15c: {  	[tilespmem:s17], [sflag:$0x2] =	stream.indirect_vreg.gather [hbm4b:s2+s3], $0x80, v3, vm0, $0xb8;
	[tilespmem:$0x12280] =	vst v63  }
0x15d: {  	_ =	swait.ge [sflag:s6], $0x6000  }
0x15e: {  	[sflag:s6] =	ssyncset.done $0x0  }
0x15f: {  	s5 =	rddreg [dreg:$0x7];
	[sflag:s6] =	ssyncadd.s32 $0xFFFFA000  }
0x160: {  	[hbm4b:s5+s3] =	stream.linear.scatter [tilespmem:s19], [sflag:$0x6], $0x6000, $0x38;
	[tilespmem:$0x12280] =	vst v63  }
0x161: {  	_ =	swait.ge [sflag:s22], $0x6000  }
0x162: {  	[sflag:s22] =	ssyncset.done $0x0  }
0x163: {  	[sflag:s22] =	ssyncadd.s32 $0xFFFFA000  }
0x164: {  	v3 =	vld [tilespmem:$0x1E0];
	_ =	sdelay $0x4  }
0x165: {  	v58 =	vshll.u32 v3, $0x1  }
0x166: {  	v3 =	vand.u32 $0x7, v3;
	v4 =	vand.u32 $0xFFFFFFF0, v58  }
0x167: {  	v3 =	vor.u32 v3, v4  }
0x168: {  	v4 =	vperm.xlane v3, v0;
	_ =	sdelay $0x1  }
0x169: {  	v3 =	vperm.xlane v3, v2;
	v4 =	vadd.s32 v1, v4;
	_ =	sdelay $0x1  }
0x16a: {  	v3 =	vadd.s32 v1, v3;
	_ =	sdelay $0x2  }
0x16b: {  	[tilespmem:s19], [sflag:$0x3] =	stream.indirect_vreg.gather [hbm4b:s2+s3], $0x80, v4, vm0, $0xb8;
	[tilespmem:$0x12280] =	vst v63  }
0x16c: {  	s23 =	simm.s32 $0xCA80  }
0x16d: {  	[tilespmem:s23], [sflag:$0x3] =	stream.indirect_vreg.gather [hbm4b:s2+s3], $0x80, v3, vm0, $0xb8;
	[tilespmem:$0x12280] =	vst v63  }
0x16e: {  	v3 =	vld [tilespmem:$0x1F0];
	_ =	sdelay $0x4  }
0x16f: {  	v59 =	vshll.u32 v3, $0x1  }
0x170: {  	v3 =	vand.u32 $0x7, v3;
	v4 =	vand.u32 $0xFFFFFFF0, v59  }
0x171: {  	v3 =	vor.u32 v3, v4  }
0x172: {  	v4 =	vperm.xlane v3, v0;
	_ =	sdelay $0x1  }
0x173: {  	v3 =	vperm.xlane v3, v2;
	v4 =	vadd.s32 v1, v4;
	_ =	sdelay $0x1  }
0x174: {  	v3 =	vadd.s32 v1, v3;
	_ =	sdelay $0x1  }
0x175: {  	s23 =	simm.s32 $0xD280  }
0x176: {  	[tilespmem:s23], [sflag:$0x3] =	stream.indirect_vreg.gather [hbm4b:s2+s3], $0x80, v4, vm0, $0xb8;
	[tilespmem:$0x12280] =	vst v63  }
0x177: {  	s23 =	simm.s32 $0xDA80  }
0x178: {  	[tilespmem:s23], [sflag:$0x3] =	stream.indirect_vreg.gather [hbm4b:s2+s3], $0x80, v3, vm0, $0xb8;
	[tilespmem:$0x12280] =	vst v63  }
0x179: {  	v3 =	vld [tilespmem:$0x200];
	_ =	sdelay $0x4  }
0x17a: {  	v60 =	vshll.u32 v3, $0x1  }
0x17b: {  	v3 =	vand.u32 $0x7, v3;
	v4 =	vand.u32 $0xFFFFFFF0, v60  }
0x17c: {  	v3 =	vor.u32 v3, v4  }
0x17d: {  	v4 =	vperm.xlane v3, v0;
	_ =	sdelay $0x1  }
0x17e: {  	v3 =	vperm.xlane v3, v2;
	v4 =	vadd.s32 v1, v4;
	_ =	sdelay $0x1  }
0x17f: {  	v3 =	vadd.s32 v1, v3;
	_ =	sdelay $0x1  }
0x180: {  	s23 =	simm.s32 $0xE280  }
0x181: {  	[tilespmem:s23], [sflag:$0x3] =	stream.indirect_vreg.gather [hbm4b:s2+s3], $0x80, v4, vm0, $0xb8;
	[tilespmem:$0x12280] =	vst v63  }
0x182: {  	s23 =	simm.s32 $0xEA80  }
0x183: {  	[tilespmem:s23], [sflag:$0x3] =	stream.indirect_vreg.gather [hbm4b:s2+s3], $0x80, v3, vm0, $0xb8;
	[tilespmem:$0x12280] =	vst v63  }
0x184: {  	v3 =	vld [tilespmem:$0x210];
	_ =	sdelay $0x4  }
0x185: {  	v61 =	vshll.u32 v3, $0x1  }
0x186: {  	v3 =	vand.u32 $0x7, v3;
	v4 =	vand.u32 $0xFFFFFFF0, v61  }
0x187: {  	v3 =	vor.u32 v3, v4  }
0x188: {  	v4 =	vperm.xlane v3, v0;
	_ =	sdelay $0x1  }
0x189: {  	v3 =	vperm.xlane v3, v2;
	v4 =	vadd.s32 v1, v4;
	_ =	sdelay $0x1  }
0x18a: {  	v3 =	vadd.s32 v1, v3;
	_ =	sdelay $0x1  }
0x18b: {  	s23 =	simm.s32 $0xF280  }
0x18c: {  	[tilespmem:s23], [sflag:$0x3] =	stream.indirect_vreg.gather [hbm4b:s2+s3], $0x80, v4, vm0, $0xb8;
	[tilespmem:$0x12280] =	vst v63  }
0x18d: {  	s23 =	simm.s32 $0xFA80  }
0x18e: {  	[tilespmem:s23], [sflag:$0x3] =	stream.indirect_vreg.gather [hbm4b:s2+s3], $0x80, v3, vm0, $0xb8;
	[tilespmem:$0x12280] =	vst v63  }
0x18f: {  	v3 =	vld [tilespmem:$0x220];
	_ =	sdelay $0x4  }
0x190: {  	v62 =	vshll.u32 v3, $0x1  }
0x191: {  	v3 =	vand.u32 $0x7, v3;
	v4 =	vand.u32 $0xFFFFFFF0, v62  }
0x192: {  	v3 =	vor.u32 v3, v4  }
0x193: {  	v4 =	vperm.xlane v3, v0;
	_ =	sdelay $0x1  }
0x194: {  	v3 =	vperm.xlane v3, v2;
	v4 =	vadd.s32 v1, v4;
	_ =	sdelay $0x1  }
0x195: {  	v3 =	vadd.s32 v1, v3;
	_ =	sdelay $0x1  }
0x196: {  	s23 =	simm.s32 $0x10280  }
0x197: {  	[tilespmem:s23], [sflag:$0x3] =	stream.indirect_vreg.gather [hbm4b:s2+s3], $0x80, v4, vm0, $0xb8;
	[tilespmem:$0x12280] =	vst v63  }
0x198: {  	s23 =	simm.s32 $0x10A80  }
0x199: {  	[tilespmem:s23], [sflag:$0x3] =	stream.indirect_vreg.gather [hbm4b:s2+s3], $0x80, v3, vm0, $0xb8;
	[tilespmem:$0x12280] =	vst v63  }
0x19a: {  	v3 =	vld [tilespmem:$0x230];
	_ =	sdelay $0x4  }
0x19b: {  	v63 =	vshll.u32 v3, $0x1  }
0x19c: {  	v3 =	vand.u32 $0x7, v3;
	v4 =	vand.u32 $0xFFFFFFF0, v63  }
0x19d: {  	v3 =	vor.u32 v3, v4  }
0x19e: {  	v4 =	vperm.xlane v3, v0;
	_ =	sdelay $0x1  }
0x19f: {  	v3 =	vperm.xlane v3, v2;
	v4 =	vadd.s32 v1, v4;
	_ =	sdelay $0x1  }
0x1a0: {  	v3 =	vadd.s32 v1, v3;
	_ =	sdelay $0x1  }
0x1a1: {  	s23 =	simm.s32 $0x11280  }
0x1a2: {  	[tilespmem:s23], [sflag:$0x3] =	stream.indirect_vreg.gather [hbm4b:s2+s3], $0x80, v4, vm0, $0xb8;
	[tilespmem:$0x12280] =	vst v63  }
0x1a3: {  	s23 =	simm.s32 $0x11A80  }
0x1a4: {  	[tilespmem:s23], [sflag:$0x3] =	stream.indirect_vreg.gather [hbm4b:s2+s3], $0x80, v3, vm0, $0xb8;
	[tilespmem:$0x12280] =	vst v63  }
0x1a5: {  	_ =	swait.ge [sflag:s20], $0x6000  }
0x1a6: {  	[sflag:s20] =	ssyncset.done $0x0  }
0x1a7: {  	s5 =	simm.s32 $0x280;
	s23 =	rddreg [dreg:$0x8];
	[sflag:s20] =	ssyncadd.s32 $0xFFFFA000  }
0x1a8: {  	[hbm4b:s23+s3] =	stream.linear.scatter [tilespmem:s5], [sflag:$0x4], $0x6000, $0x38;
	[tilespmem:$0x12280] =	vst v63  }
0x1a9: {  	_ =	swait.ge [sflag:s0], $0x6000  }
0x1aa: {  	[sflag:s0] =	ssyncset.done $0x0  }
0x1ab: {  	s5 =	rddreg [dreg:$0x9];
	[sflag:s0] =	ssyncadd.s32 $0xFFFFA000  }
0x1ac: {  	[hbm4b:s5+s3] =	stream.linear.scatter [tilespmem:s31], [sflag:$0x5], $0x6000, $0x38;
	[tilespmem:$0x12280] =	vst v63  }
0x1ad: {  	_ =	swait.ge [sflag:s6], $0x6000  }
0x1ae: {  	[sflag:s6] =	ssyncset.done $0x0  }
0x1af: {  	s5 =	rddreg [dreg:$0xa];
	[sflag:s6] =	ssyncadd.s32 $0xFFFFA000  }
0x1b0: {  	[hbm4b:s5+s3] =	stream.linear.scatter [tilespmem:s19], [sflag:$0x6], $0x6000, $0x38;
	[tilespmem:$0x12280] =	vst v63  }
0x1b1: {  	_ =	swait.ge [sflag:s21], $0x6000  }
0x1b2: {  	[sflag:s21] =	ssyncset.done $0x0  }
0x1b3: {  	[sflag:s21] =	ssyncadd.s32 $0xFFFFA000  }
0x1b4: {  	p0 =	sne.s32 s4, $0x1;
	_ =	swait.ge [sflag:s1], $0x6000  }
.Ltmp0:
0x1b5: {  	[sflag:s1] =	ssyncset.done $0x0;
	(pc) =	sbr.rel @p0 .LBB2_1-.Ltmp0, $4  }
0x1b6: {  	[sflag:s1] =	ssyncadd.s32 $0xFFFFA000  }
0x1b7: {  	_ =	swait.ge [sflag:s22], $0x6000  }
0x1b8: {  	[sflag:s22] =	ssyncset.done $0x0  }
0x1b9: {  	s4 =	sadd.s32 $0xFFFFFFFF, s4;
	[sflag:s22] =	ssyncadd.s32 $0xFFFFA000  }
0x1ba: {  	_ =	sfence.sel $0x180000  }
0x1bb: {  	[bflag:$0x0] =	sbarrier.arrive $0xFFFF  }
0x1bc: {  	_ =	strace $0x90000047  }
0x1bd: {  	s0 =	stileid.u32;
	[bflag:$0x2] =	sbarrier.arrive $0xFFFF  }
0x1be: {  	p0 =	sne.s32 s0, $0x0;
	s0 =	rddreg [dreg:$0x3]  }
0x1bf: {  	s0 =	sadd.s32 @!p0 $0x100000, s0  }
0x1c0: {  	[sflag:s0] =	ssyncadd.tile.s32 @!p0 $0x1;
	_ =	shalt  }
.Lfunc_end2:
_tile_overlayer_lowered:
.L_overlay_start_2:
0x1c1: {  	(tag) =	ssettag $0x2  }
0x1c2: {  	s0 =	rddreg [dreg:$0x0];
	s2 =	stileid.u32  }
0x1c3: {  	s1 =	rddreg [dreg:$0x1];
	p0 =	sne.s32 s2, $0x0  }
0x1c4: {  	s3 =	rddreg [dreg:$0x2];
	[bflag:$0x3] =	sbarrier.arrive $0xFFFF;
	s2 =	simm.s32 @!p0 $0x1C07  }
0x1c5: {  	[timem:s3], [sflag:s2] =	dma.local @!p0 [hbm:s0], s1  }
0x1c6: {  	s0 =	simm.s32 @!p0 $0x7  }
0x1c7: {  	_ =	swait.ge @!p0 [sflag:s0], s1  }
0x1c8: {  	s1 =	ssub.s32 @!p0 $0x0, s1;
	[sflag:s0] =	ssyncset.done @!p0 $0x0  }
0x1c9: {  	[sflag:s0] =	ssyncadd.s32 @!p0 s1  }
0x1ca: {  	[bflag:$0x3] =	sbarrier.arrive $0xFFFF  }
0x1cb: {  	_ =	shalt  }

</sc_bundles>
